<compile_context>
chip_gen: v7x
topology: tpu7x:2x2x1
jax: 0.10.2.dev20260603
libtpu: 0.0.44.dev20260713+nightly
codegen_flags: <defaults>
</compile_context>

<pallas_src>
import functools
import jax
import jax.numpy as jnp
from jax import lax
from jax.experimental import pallas as pl
from jax.experimental.pallas import tpu as pltpu
from jax.experimental.pallas import tpu_sc as plsc

_N = 10000
_E = 160000
_D = 16
_NET = 4
_FIN = 128

_NPAD = 10240
_ROWS_PER_SUB = _NPAD // 16
_CHUNK = 128
_NCORES = 2
_NSUB = 16 * _NCORES
_EPAD = 163840
_EDGES_PER_W = _EPAD // _NSUB
_NCHUNK = _EDGES_PER_W // _CHUNK
_NCHUNKP = _NCHUNK + 4

_BN = 512
_GRID = _NPAD // _BN


def _node_body(x_ref, w0_ref, b0_ref, ma_ref, map_ref, mb_ref, mbr_ref,
               bu_ref, bi_ref, rep_ref, sum_ref, u_ref, h_ref, tg_ref):
    h = jnp.maximum(x_ref[...] @ w0_ref[...] + b0_ref[...], 0.0)
    u = u_ref[...]
    A = h @ ma_ref[...]
    Ap = h @ map_ref[...]
    u64 = jnp.concatenate([u, u, u, u], axis=1)
    Tm = A + u64 * Ap
    C = h @ mb_ref[...]
    Cr = h @ mbr_ref[...]
    hrep = h @ rep_ref[...]
    B = (C * hrep) @ sum_ref[...]
    Br = (Cr * hrep) @ sum_ref[...]
    bias = u * (h @ bu_ref[...]) + (1.0 - u) * (h @ bi_ref[...])
    Gm = B + bias + (1.0 - u) * Br
    h_ref[...] = h
    tg_ref[...] = jnp.concatenate([Tm, Gm], axis=1)


def _node_precompute(x_pad, W0, b0, M_A, M_Ap, M_B, M_Br, bu, bi,
                     rep_m, sum_m, u16):
    full = lambda i: (0, 0)
    return pl.pallas_call(
        _node_body,
        grid=(_GRID,),
        in_specs=[
            pl.BlockSpec((_BN, _FIN), lambda i: (i, 0)),
            pl.BlockSpec((_FIN, _D), full),
            pl.BlockSpec((1, _D), full),
            pl.BlockSpec((_D, _NET * _D), full),
            pl.BlockSpec((_D, _NET * _D), full),
            pl.BlockSpec((_D, _D * _D), full),
            pl.BlockSpec((_D, _D * _D), full),
            pl.BlockSpec((_D, _D), full),
            pl.BlockSpec((_D, _D), full),
            pl.BlockSpec((_D, _D * _D), full),
            pl.BlockSpec((_D * _D, _D), full),
            pl.BlockSpec((_BN, _D), lambda i: (i, 0)),
        ],
        out_specs=[
            pl.BlockSpec((_BN, _D), lambda i: (i, 0)),
            pl.BlockSpec((_BN, 80), lambda i: (i, 0)),
        ],
        out_shape=[
            jax.ShapeDtypeStruct((_NPAD, _D), jnp.float32),
            jax.ShapeDtypeStruct((_NPAD, 80), jnp.float32),
        ],
    )(x_pad, W0, b0, M_A, M_Ap, M_B, M_Br, bu, bi, rep_m, sum_m, u16)


def _edge_body(tg_hbm, src_hbm, dst_hbm, ea_hbm, zeros_hbm, out_hbm,
               src_v, dst_v, ea0_v, ea1_v, rows0_v, rows1_v, msg0_v, msg1_v,
               dump_v, tgb_v, bounce_v, tg_sh, agg_sh,
               sem_g0, sem_g1, sem_e0, sem_e1, sem_s0, sem_s1):
    cid = lax.axis_index("c")
    sid = lax.axis_index("s")
    wid = cid * 16 + sid
    r0 = sid * _ROWS_PER_SUB
    for k in range(_ROWS_PER_SUB // _CHUNK):
        rk = r0 + k * _CHUNK
        pltpu.sync_copy(zeros_hbm.at[pl.ds(rk, _CHUNK)], bounce_v)
        pltpu.sync_copy(bounce_v, agg_sh.at[pl.ds(rk, _CHUNK)])
    for k in range(_ROWS_PER_SUB // _CHUNK):
        rk = r0 + k * _CHUNK
        pltpu.sync_copy(tg_hbm.at[pl.ds(rk, _CHUNK)], tgb_v)
        pltpu.sync_copy(tgb_v, tg_sh.at[pl.ds(rk, _CHUNK)])
    pltpu.sync_copy(src_hbm.at[wid], src_v)
    pltpu.sync_copy(dst_hbm.at[wid], dst_v)
    cnt_pat = jnp.where(lax.iota(jnp.int32, 16) == 0,
                        jnp.float32(1.0), jnp.float32(0.0))
    zero16 = jnp.zeros((16,), jnp.float32)

    def _pref(j, carry):
        msg0_v[j, pl.ds(0, 16)] = zero16
        msg0_v[j, pl.ds(16, 16)] = cnt_pat
        msg1_v[j, pl.ds(0, 16)] = zero16
        msg1_v[j, pl.ds(16, 16)] = cnt_pat
        return carry

    lax.fori_loop(0, _CHUNK, _pref, 0)
    dump_pat = jnp.full((16,), _N, jnp.int32)
    for k in range(_CHUNK // 16):
        dump_v[pl.ds(k * 16, 16)] = dump_pat
    plsc.subcore_barrier()

    pltpu.async_copy(tg_sh.at[src_v.at[0]], rows0_v, sem_g0)
    pltpu.async_copy(ea_hbm.at[wid, 0], ea0_v.at[pl.ds(0, _CHUNK * _NET)], sem_e0)
    pltpu.async_copy(tg_sh.at[src_v.at[1]], rows1_v, sem_g1)
    pltpu.async_copy(ea_hbm.at[wid, 1], ea1_v.at[pl.ds(0, _CHUNK * _NET)], sem_e1)
    pltpu.async_copy(msg0_v, agg_sh.at[dump_v], sem_s0, add=True)
    pltpu.async_copy(msg1_v, agg_sh.at[dump_v], sem_s1, add=True)

    def _do_chunk(c, rows_v, ea_v, msg_v, sem_g, sem_e, sem_s):
        pltpu.make_async_copy(tg_hbm.at[pl.ds(0, _CHUNK)], rows_v, sem_g).wait()
        pltpu.make_async_copy(ea_hbm.at[wid, 0], ea_v.at[pl.ds(0, _CHUNK * _NET)], sem_e).wait()
        pltpu.make_async_copy(msg_v, agg_sh.at[dump_v], sem_s).wait()

        def _edge(j, inner):
            ev = ea_v[pl.ds(j * _NET, 16)]
            acc = rows_v[j, pl.ds(64, 16)]
            acc = acc + ev[0] * rows_v[j, pl.ds(0, 16)]
            acc = acc + ev[1] * rows_v[j, pl.ds(16, 16)]
            acc = acc + ev[2] * rows_v[j, pl.ds(32, 16)]
            acc = acc + ev[3] * rows_v[j, pl.ds(48, 16)]
            msg_v[j, pl.ds(0, 16)] = acc
            return inner

        lax.fori_loop(0, _CHUNK, _edge, 0)
        pltpu.async_copy(msg_v, agg_sh.at[dst_v.at[c]], sem_s, add=True)
        pltpu.async_copy(tg_sh.at[src_v.at[c + 2]], rows_v, sem_g)
        pltpu.async_copy(ea_hbm.at[wid, c + 2], ea_v.at[pl.ds(0, _CHUNK * _NET)], sem_e)

    def _pair(p, carry):
        _do_chunk(2 * p, rows0_v, ea0_v, msg0_v, sem_g0, sem_e0, sem_s0)
        _do_chunk(2 * p + 1, rows1_v, ea1_v, msg1_v, sem_g1, sem_e1, sem_s1)
        return carry

    lax.fori_loop(0, _NCHUNK // 2, _pair, 0)
    pltpu.make_async_copy(tg_hbm.at[pl.ds(0, _CHUNK)], rows0_v, sem_g0).wait()
    pltpu.make_async_copy(ea_hbm.at[wid, 0], ea0_v.at[pl.ds(0, _CHUNK * _NET)], sem_e0).wait()
    pltpu.make_async_copy(msg0_v, agg_sh.at[dump_v], sem_s0).wait()
    pltpu.make_async_copy(tg_hbm.at[pl.ds(0, _CHUNK)], rows1_v, sem_g1).wait()
    pltpu.make_async_copy(ea_hbm.at[wid, 0], ea1_v.at[pl.ds(0, _CHUNK * _NET)], sem_e1).wait()
    pltpu.make_async_copy(msg1_v, agg_sh.at[dump_v], sem_s1).wait()
    plsc.subcore_barrier()
    for k in range(_ROWS_PER_SUB // _CHUNK):
        rk = r0 + k * _CHUNK
        pltpu.sync_copy(agg_sh.at[pl.ds(rk, _CHUNK)], bounce_v)
        pltpu.sync_copy(bounce_v, out_hbm.at[cid, pl.ds(rk, _CHUNK)])


def _edge_phase(tg, src3, dst3, ea4, zeros32):
    mesh = plsc.VectorSubcoreMesh(core_axis_name="c", subcore_axis_name="s", num_cores=_NCORES)
    kern = pl.kernel(
        _edge_body,
        out_type=jax.ShapeDtypeStruct((_NCORES, _NPAD, 32), jnp.float32),
        mesh=mesh,
        scratch_types=[
            pltpu.VMEM((_NCHUNKP, _CHUNK), jnp.int32),
            pltpu.VMEM((_NCHUNKP, _CHUNK), jnp.int32),
            pltpu.VMEM((_CHUNK * _NET + 16,), jnp.float32),
            pltpu.VMEM((_CHUNK * _NET + 16,), jnp.float32),
            pltpu.VMEM((_CHUNK, 80), jnp.float32),
            pltpu.VMEM((_CHUNK, 80), jnp.float32),
            pltpu.VMEM((_CHUNK, 32), jnp.float32),
            pltpu.VMEM((_CHUNK, 32), jnp.float32),
            pltpu.VMEM((_CHUNK,), jnp.int32),
            pltpu.VMEM((_CHUNK, 80), jnp.float32),
            pltpu.VMEM((_CHUNK, 32), jnp.float32),
            pltpu.VMEM_SHARED((_NPAD, 80), jnp.float32),
            pltpu.VMEM_SHARED((_NPAD, 32), jnp.float32),
            pltpu.SemaphoreType.DMA,
            pltpu.SemaphoreType.DMA,
            pltpu.SemaphoreType.DMA,
            pltpu.SemaphoreType.DMA,
            pltpu.SemaphoreType.DMA,
            pltpu.SemaphoreType.DMA,
        ],
        compiler_params=pltpu.CompilerParams(use_tc_tiling_on_sc=False),
    )
    return kern(tg, src3, dst3, ea4, zeros32)


def _final_body(p0_ref, p1_ref, h_ref, wih_ref, whh_ref, bih_ref, bhh_ref,
                out_ref):
    s = p0_ref[...] + p1_ref[...]
    agg = s[:, 0:16]
    cnt = s[:, 16:17]
    mean = agg / jnp.maximum(cnt, 1.0)
    m = jnp.maximum(mean, 0.0)
    h = h_ref[...]
    gi = m @ wih_ref[...] + bih_ref[...]
    gh = h @ whh_ref[...] + bhh_ref[...]
    r = jax.nn.sigmoid(gi[:, 0:16] + gh[:, 0:16])
    z = jax.nn.sigmoid(gi[:, 16:32] + gh[:, 16:32])
    n = jnp.tanh(gi[:, 32:48] + r * gh[:, 32:48])
    h_new = (1.0 - z) * n + z * h
    out_ref[...] = jnp.maximum(h_new, 0.0)


def _finalize(p0, p1, h, Wih, Whh, bih, bhh):
    full = lambda i: (0, 0)
    return pl.pallas_call(
        _final_body,
        grid=(_GRID,),
        in_specs=[
            pl.BlockSpec((_BN, 32), lambda i: (i, 0)),
            pl.BlockSpec((_BN, 32), lambda i: (i, 0)),
            pl.BlockSpec((_BN, _D), lambda i: (i, 0)),
            pl.BlockSpec((_D, 3 * _D), full),
            pl.BlockSpec((_D, 3 * _D), full),
            pl.BlockSpec((1, 3 * _D), full),
            pl.BlockSpec((1, 3 * _D), full),
        ],
        out_specs=pl.BlockSpec((_BN, _D), lambda i: (i, 0)),
        out_shape=jax.ShapeDtypeStruct((_NPAD, _D), jnp.float32),
    )(p0, p1, h, Wih, Whh, bih, bhh)


def kernel(x, edge_index, edge_attr, is_user, W0, b0, Wr, br, Wp, bp,
           We, be, Wih, Whh, bih, bhh):
    f32 = jnp.float32
    We3a = We[:_NET].reshape(_NET, _D, _D)
    We3x = We[_NET:].reshape(_D, _D, _D)
    Wp3 = Wp.reshape(_NET, _D, _D)
    Wr3 = Wr.reshape(_D, _D, _D)
    M_A = We3a.transpose(1, 0, 2).reshape(_D, _NET * _D)
    M_Ap = Wp3.transpose(1, 0, 2).reshape(_D, _NET * _D)
    M_B = We3x.transpose(1, 0, 2).reshape(_D, _D * _D)
    M_Br = Wr3.transpose(1, 0, 2).reshape(_D, _D * _D)
    bu = (be + bp).reshape(_D, _D)
    bi = (be + br).reshape(_D, _D)
    rep_m = jnp.kron(jnp.eye(_D, dtype=f32), jnp.ones((1, _D), f32))
    sum_m = jnp.kron(jnp.ones((_D, 1), f32), jnp.eye(_D, dtype=f32))

    x_pad = jnp.zeros((_NPAD, _FIN), f32).at[:_N].set(x)
    u16 = jnp.zeros((_NPAD, _D), f32).at[:_N].set(
        jnp.broadcast_to(is_user.astype(f32)[:, None], (_N, _D)))
    src_pad = jnp.zeros((_EPAD,), jnp.int32).at[:_E].set(edge_index[0])
    dst_pad = jnp.full((_EPAD,), _N, jnp.int32).at[:_E].set(edge_index[1])
    ea_pad = jnp.zeros((_EPAD, _NET), f32).at[:_E].set(edge_attr)
    src3 = jnp.zeros((_NSUB, _NCHUNKP, _CHUNK), jnp.int32)\
        .at[:, :_NCHUNK].set(src_pad.reshape(_NSUB, _NCHUNK, _CHUNK))
    dst3 = jnp.full((_NSUB, _NCHUNKP, _CHUNK), _N, jnp.int32)\
        .at[:, :_NCHUNK].set(dst_pad.reshape(_NSUB, _NCHUNK, _CHUNK))
    ea3 = jnp.zeros((_NSUB, _NCHUNKP, _CHUNK * _NET), f32)\
        .at[:, :_NCHUNK].set(ea_pad.reshape(_NSUB, _NCHUNK, _CHUNK * _NET))
    zeros32 = jnp.zeros((_NPAD, 32), f32)

    h, tg = _node_precompute(x_pad, W0, b0.reshape(1, _D), M_A, M_Ap,
                             M_B, M_Br, bu, bi, rep_m, sum_m, u16)
    partial = _edge_phase(tg, src3, dst3, ea3, zeros32)
    p1 = partial[1] if _NCORES == 2 else zeros32
    out = _finalize(partial[0], p1, h, Wih, Whh,
                    bih.reshape(1, 3 * _D), bhh.reshape(1, 3 * _D))
    return out[:_N]

# --- scband reference (transcript-rebuilt; emitter-appended) ---
"""Pipeline reference for scband-encoder-66451734004283 (READ-ONLY COPY).

The authoritative reference and input builder live on the scoring server;
editing this copy changes nothing except your own understanding.
"""

import jax, jax.numpy as jnp
import numpy as np

N = 10000
E = 160000
F_IN = 128
D = 16          # node_hidden_dim = edge_hidden_dim = args.node_emb
NET = 4         # num_edge_type


def setup_inputs(seed: int = 0) -> dict:
    key = jax.random.key(seed)
    ks = jax.random.split(key, 16)
    x = jax.random.normal(ks[0], (N, F_IN), dtype=jnp.float32)
    edge_index = jax.random.randint(ks[1], (2, E), 0, N, dtype=jnp.int32)
    edge_attr = jax.random.uniform(ks[2], (E, NET), dtype=jnp.float32)
    is_user = jax.random.randint(ks[3], (N,), 0, 2, dtype=jnp.int32).astype(jnp.bool_)
    s = 0.05
    W0 = jax.random.normal(ks[4], (F_IN, D), dtype=jnp.float32) * s
    b0 = jnp.zeros((D,), dtype=jnp.float32)
    Wr = jax.random.normal(ks[5], (D, D * D), dtype=jnp.float32) * s
    br = jnp.zeros((D * D,), dtype=jnp.float32)
    Wp = jax.random.normal(ks[6], (NET, D * D), dtype=jnp.float32) * s
    bp = jnp.zeros((D * D,), dtype=jnp.float32)
    We = jax.random.normal(ks[7], (NET + D, D * D), dtype=jnp.float32) * s
    be = jnp.zeros((D * D,), dtype=jnp.float32)
    Wih = jax.random.normal(ks[8], (D, 3 * D), dtype=jnp.float32) * s
    Whh = jax.random.normal(ks[9], (D, 3 * D), dtype=jnp.float32) * s
    bih = jnp.zeros((3 * D,), dtype=jnp.float32)
    bhh = jnp.zeros((3 * D,), dtype=jnp.float32)
    return {"x": x, "edge_index": edge_index, "edge_attr": edge_attr, "is_user": is_user,
            "W0": W0, "b0": b0, "Wr": Wr, "br": br, "Wp": Wp, "bp": bp,
            "We": We, "be": be, "Wih": Wih, "Whh": Whh, "bih": bih, "bhh": bhh}


def reference(x, edge_index, edge_attr, is_user, W0, b0, Wr, br, Wp, bp, We, be, Wih, Whh, bih, bhh):
    # lin0 + relu
    out = jax.nn.relu(x @ W0 + b0)        # [N, D]
    h = out                                # GRU hidden init (h = out.unsqueeze(0))
    # ---- IRGPRConv (NNConv-style message passing, aggr='mean', root_weight=False) ----
    src = edge_index[0]
    dst = edge_index[1]
    x_src = out[src]                       # gather [E, D]
    mask = is_user[src]                    # [E] bool
    # edge_network on concat(edge_attr, x_src)
    ein = jnp.concatenate([edge_attr, x_src], axis=1)    # [E, NET+D]
    W_edge = ein @ We + be                               # [E, D*D]
    # personalized_network (user nodes) vs rating_network (item nodes)
    W_pers = edge_attr @ Wp + bp                         # [E, D*D]
    W_rate = x_src @ Wr + br                             # [E, D*D]
    W_gate = jnp.where(mask[:, None], W_pers, W_rate)    # [E, D*D]
    Wtot = (W_edge + W_gate).reshape(E, D, D)
    msg = jnp.einsum('ed,edf->ef', x_src, Wtot)          # [E, D]
    agg = jax.ops.segment_sum(msg, dst, num_segments=N)  # scatter-add
    cnt = jax.ops.segment_sum(jnp.ones((E,), jnp.float32), dst, num_segments=N)
    agg = agg / jnp.maximum(cnt, 1.0)[:, None]           # mean aggregation
    m = jax.nn.relu(agg)
    # ---- GRU single step (num_step_message_passing = 1) ----
    gi = m @ Wih + bih
    gh = h @ Whh + bhh
    i_r, i_z, i_n = jnp.split(gi, 3, axis=1)
    h_r, h_z, h_n = jnp.split(gh, 3, axis=1)
    r = jax.nn.sigmoid(i_r + h_r)
    z = jax.nn.sigmoid(i_z + h_z)
    n = jnp.tanh(i_n + r * h_n)
    h_new = (1.0 - z) * n + z * h
    out = jax.nn.relu(h_new)
    return out

if __name__ == "__main__":
    import jax
    _d = setup_inputs()
    print(jax.jit(kernel)(*tuple(_d.values())))

</pallas_src>

<mosaic_0001>
#map = affine_map<(d0, d1) -> (0, 0)>
#map1 = affine_map<(d0, d1) -> (0, 0, 0)>
module attributes {stable_mosaic.version = 14 : i64} {
  func.func @_edge_body(%arg0: i32, %arg1: i32, %arg2: memref<10240x80xf32, #tpu.memory_space<hbm>>, %arg3: memref<32x44x128xi32, #tpu.memory_space<hbm>>, %arg4: memref<32x44x128xi32, #tpu.memory_space<hbm>>, %arg5: memref<32x44x512xf32, #tpu.memory_space<hbm>>, %arg6: memref<10240x32xf32, #tpu.memory_space<hbm>>, %arg7: memref<2x10240x32xf32, #tpu.memory_space<hbm>>, %arg8: memref<44x128xi32, #tpu.memory_space<vmem>>, %arg9: memref<44x128xi32, #tpu.memory_space<vmem>>, %arg10: memref<528xf32, #tpu.memory_space<vmem>>, %arg11: memref<528xf32, #tpu.memory_space<vmem>>, %arg12: memref<128x80xf32, #tpu.memory_space<vmem>>, %arg13: memref<128x80xf32, #tpu.memory_space<vmem>>, %arg14: memref<128x32xf32, #tpu.memory_space<vmem>>, %arg15: memref<128x32xf32, #tpu.memory_space<vmem>>, %arg16: memref<128xi32, #tpu.memory_space<vmem>>, %arg17: memref<128x80xf32, #tpu.memory_space<vmem>>, %arg18: memref<128x32xf32, #tpu.memory_space<vmem>>, %arg19: memref<10240x80xf32, #tpu.memory_space<vmem_shared>>, %arg20: memref<10240x32xf32, #tpu.memory_space<vmem_shared>>, %arg21: memref<!tpu.dma_semaphore, #tpu.memory_space<semaphore_mem>>, %arg22: memref<!tpu.dma_semaphore, #tpu.memory_space<semaphore_mem>>, %arg23: memref<!tpu.dma_semaphore, #tpu.memory_space<semaphore_mem>>, %arg24: memref<!tpu.dma_semaphore, #tpu.memory_space<semaphore_mem>>, %arg25: memref<!tpu.dma_semaphore, #tpu.memory_space<semaphore_mem>>, %arg26: memref<!tpu.dma_semaphore, #tpu.memory_space<semaphore_mem>>) attributes {dimension_semantics = [#tpu.dimension_semantics<core_parallel>, #tpu.dimension_semantics<subcore_parallel>], iteration_bounds = array<i64: 2, 16>, scalar_prefetch = 0 : i64, scratch_operands = 19 : i64, tpu.core_type = #tpu.core_type<sc_vector_subcore>, window_params = [{transform_indices = #map}, {transform_indices = #map1}, {transform_indices = #map1}, {transform_indices = #map1}, {transform_indices = #map}, {transform_indices = #map1}]} {
    %mul3A = arith.constant 16 : i32
    %mul3A_0 = arith.muli %arg0, %mul3A : i32
    %add3A = arith.addi %mul3A_0, %arg1 : i32
    %mul3A_1 = arith.constant 640 : i32
    %mul3A_2 = arith.muli %arg1, %mul3A_1 : i32
    %add3A_3 = arith.constant 0 : i32
    %add3A_4 = arith.addi %mul3A_2, %add3A_3 : i32
    "tpu.region"() ({
      %run_scoped3A = tpu.sem_alloc : memref<!tpu.dma_semaphore, #tpu.memory_space<semaphore_mem>>
      %dma_start3A_164 = arith.constant 0 : i32
      %dma_start3A_165 = tpu.memref_slice %arg6[%add3A_4, %dma_start3A_164] : memref<10240x32xf32, #tpu.memory_space<hbm>> -> memref<128x32xf32, #tpu.memory_space<hbm>>
      %dma_start3A_166 = arith.constant 0 : i32
      %dma_start3A_167 = tpu.memref_slice %arg6[%add3A_4, %dma_start3A_166] : memref<10240x32xf32, #tpu.memory_space<hbm>> -> memref<128x32xf32, #tpu.memory_space<hbm>>
      tpu.enqueue_dma source(%dma_start3A_167 : memref<128x32xf32, #tpu.memory_space<hbm>>) target(%arg18 : memref<128x32xf32, #tpu.memory_space<vmem>>) target_semaphore(%run_scoped3A : memref<!tpu.dma_semaphore, #tpu.memory_space<semaphore_mem>>)
      %dma_wait3A_168 = arith.constant 0 : i32
      %dma_wait3A_169 = tpu.memref_slice %arg6[%add3A_4, %dma_wait3A_168] : memref<10240x32xf32, #tpu.memory_space<hbm>> -> memref<128x32xf32, #tpu.memory_space<hbm>>
      %dma_wait3A_170 = arith.constant 0 : i32
      %dma_wait3A_171 = tpu.memref_slice %arg6[%add3A_4, %dma_wait3A_170] : memref<10240x32xf32, #tpu.memory_space<hbm>> -> memref<128x32xf32, #tpu.memory_space<hbm>>
      tpu.wait_dma2 semaphore(%run_scoped3A : memref<!tpu.dma_semaphore, #tpu.memory_space<semaphore_mem>>) src(%dma_wait3A_171 : memref<128x32xf32, #tpu.memory_space<hbm>>) dst(%arg18 : memref<128x32xf32, #tpu.memory_space<vmem>>)
      tpu.yield
    }) : () -> ()
    "tpu.region"() ({
      %run_scoped3A = tpu.sem_alloc : memref<!tpu.dma_semaphore, #tpu.memory_space<semaphore_mem>>
      %dma_start3A_164 = arith.constant 0 : i32
      %dma_start3A_165 = tpu.memref_slice %arg20[%add3A_4, %dma_start3A_164] : memref<10240x32xf32, #tpu.memory_space<vmem_shared>> -> memref<128x32xf32, #tpu.memory_space<vmem_shared>>
      %dma_start3A_166 = arith.constant 0 : i32
      %dma_start3A_167 = tpu.memref_slice %arg20[%add3A_4, %dma_start3A_166] : memref<10240x32xf32, #tpu.memory_space<vmem_shared>> -> memref<128x32xf32, #tpu.memory_space<vmem_shared>>
      tpu.enqueue_dma source(%arg18 : memref<128x32xf32, #tpu.memory_space<vmem>>) target(%dma_start3A_167 : memref<128x32xf32, #tpu.memory_space<vmem_shared>>) target_semaphore(%run_scoped3A : memref<!tpu.dma_semaphore, #tpu.memory_space<semaphore_mem>>)
      %dma_wait3A_168 = arith.constant 0 : i32
      %dma_wait3A_169 = tpu.memref_slice %arg20[%add3A_4, %dma_wait3A_168] : memref<10240x32xf32, #tpu.memory_space<vmem_shared>> -> memref<128x32xf32, #tpu.memory_space<vmem_shared>>
      %dma_wait3A_170 = arith.constant 0 : i32
      %dma_wait3A_171 = tpu.memref_slice %arg20[%add3A_4, %dma_wait3A_170] : memref<10240x32xf32, #tpu.memory_space<vmem_shared>> -> memref<128x32xf32, #tpu.memory_space<vmem_shared>>
      tpu.wait_dma2 semaphore(%run_scoped3A : memref<!tpu.dma_semaphore, #tpu.memory_space<semaphore_mem>>) src(%arg18 : memref<128x32xf32, #tpu.memory_space<vmem>>) dst(%dma_wait3A_171 : memref<128x32xf32, #tpu.memory_space<vmem_shared>>)
      tpu.yield
    }) : () -> ()
    %add3A_5 = arith.constant 128 : i32
    %add3A_6 = arith.addi %mul3A_2, %add3A_5 : i32
    "tpu.region"() ({
      %run_scoped3A = tpu.sem_alloc : memref<!tpu.dma_semaphore, #tpu.memory_space<semaphore_mem>>
      %dma_start3A_164 = arith.constant 0 : i32
      %dma_start3A_165 = tpu.memref_slice %arg6[%add3A_6, %dma_start3A_164] : memref<10240x32xf32, #tpu.memory_space<hbm>> -> memref<128x32xf32, #tpu.memory_space<hbm>>
      %dma_start3A_166 = arith.constant 0 : i32
      %dma_start3A_167 = tpu.memref_slice %arg6[%add3A_6, %dma_start3A_166] : memref<10240x32xf32, #tpu.memory_space<hbm>> -> memref<128x32xf32, #tpu.memory_space<hbm>>
      tpu.enqueue_dma source(%dma_start3A_167 : memref<128x32xf32, #tpu.memory_space<hbm>>) target(%arg18 : memref<128x32xf32, #tpu.memory_space<vmem>>) target_semaphore(%run_scoped3A : memref<!tpu.dma_semaphore, #tpu.memory_space<semaphore_mem>>)
      %dma_wait3A_168 = arith.constant 0 : i32
      %dma_wait3A_169 = tpu.memref_slice %arg6[%add3A_6, %dma_wait3A_168] : memref<10240x32xf32, #tpu.memory_space<hbm>> -> memref<128x32xf32, #tpu.memory_space<hbm>>
      %dma_wait3A_170 = arith.constant 0 : i32
      %dma_wait3A_171 = tpu.memref_slice %arg6[%add3A_6, %dma_wait3A_170] : memref<10240x32xf32, #tpu.memory_space<hbm>> -> memref<128x32xf32, #tpu.memory_space<hbm>>
      tpu.wait_dma2 semaphore(%run_scoped3A : memref<!tpu.dma_semaphore, #tpu.memory_space<semaphore_mem>>) src(%dma_wait3A_171 : memref<128x32xf32, #tpu.memory_space<hbm>>) dst(%arg18 : memref<128x32xf32, #tpu.memory_space<vmem>>)
      tpu.yield
    }) : () -> ()
    "tpu.region"() ({
      %run_scoped3A = tpu.sem_alloc : memref<!tpu.dma_semaphore, #tpu.memory_space<semaphore_mem>>
      %dma_start3A_164 = arith.constant 0 : i32
      %dma_start3A_165 = tpu.memref_slice %arg20[%add3A_6, %dma_start3A_164] : memref<10240x32xf32, #tpu.memory_space<vmem_shared>> -> memref<128x32xf32, #tpu.memory_space<vmem_shared>>
      %dma_start3A_166 = arith.constant 0 : i32
      %dma_start3A_167 = tpu.memref_slice %arg20[%add3A_6, %dma_start3A_166] : memref<10240x32xf32, #tpu.memory_space<vmem_shared>> -> memref<128x32xf32, #tpu.memory_space<vmem_shared>>
      tpu.enqueue_dma source(%arg18 : memref<128x32xf32, #tpu.memory_space<vmem>>) target(%dma_start3A_167 : memref<128x32xf32, #tpu.memory_space<vmem_shared>>) target_semaphore(%run_scoped3A : memref<!tpu.dma_semaphore, #tpu.memory_space<semaphore_mem>>)
      %dma_wait3A_168 = arith.constant 0 : i32
      %dma_wait3A_169 = tpu.memref_slice %arg20[%add3A_6, %dma_wait3A_168] : memref<10240x32xf32, #tpu.memory_space<vmem_shared>> -> memref<128x32xf32, #tpu.memory_space<vmem_shared>>
      %dma_wait3A_170 = arith.constant 0 : i32
      %dma_wait3A_171 = tpu.memref_slice %arg20[%add3A_6, %dma_wait3A_170] : memref<10240x32xf32, #tpu.memory_space<vmem_shared>> -> memref<128x32xf32, #tpu.memory_space<vmem_shared>>
      tpu.wait_dma2 semaphore(%run_scoped3A : memref<!tpu.dma_semaphore, #tpu.memory_space<semaphore_mem>>) src(%arg18 : memref<128x32xf32, #tpu.memory_space<vmem>>) dst(%dma_wait3A_171 : memref<128x32xf32, #tpu.memory_space<vmem_shared>>)
      tpu.yield
    }) : () -> ()
    %add3A_7 = arith.constant 256 : i32
    %add3A_8 = arith.addi %mul3A_2, %add3A_7 : i32
    "tpu.region"() ({
      %run_scoped3A = tpu.sem_alloc : memref<!tpu.dma_semaphore, #tpu.memory_space<semaphore_mem>>
      %dma_start3A_164 = arith.constant 0 : i32
      %dma_start3A_165 = tpu.memref_slice %arg6[%add3A_8, %dma_start3A_164] : memref<10240x32xf32, #tpu.memory_space<hbm>> -> memref<128x32xf32, #tpu.memory_space<hbm>>
      %dma_start3A_166 = arith.constant 0 : i32
      %dma_start3A_167 = tpu.memref_slice %arg6[%add3A_8, %dma_start3A_166] : memref<10240x32xf32, #tpu.memory_space<hbm>> -> memref<128x32xf32, #tpu.memory_space<hbm>>
      tpu.enqueue_dma source(%dma_start3A_167 : memref<128x32xf32, #tpu.memory_space<hbm>>) target(%arg18 : memref<128x32xf32, #tpu.memory_space<vmem>>) target_semaphore(%run_scoped3A : memref<!tpu.dma_semaphore, #tpu.memory_space<semaphore_mem>>)
      %dma_wait3A_168 = arith.constant 0 : i32
      %dma_wait3A_169 = tpu.memref_slice %arg6[%add3A_8, %dma_wait3A_168] : memref<10240x32xf32, #tpu.memory_space<hbm>> -> memref<128x32xf32, #tpu.memory_space<hbm>>
      %dma_wait3A_170 = arith.constant 0 : i32
      %dma_wait3A_171 = tpu.memref_slice %arg6[%add3A_8, %dma_wait3A_170] : memref<10240x32xf32, #tpu.memory_space<hbm>> -> memref<128x32xf32, #tpu.memory_space<hbm>>
      tpu.wait_dma2 semaphore(%run_scoped3A : memref<!tpu.dma_semaphore, #tpu.memory_space<semaphore_mem>>) src(%dma_wait3A_171 : memref<128x32xf32, #tpu.memory_space<hbm>>) dst(%arg18 : memref<128x32xf32, #tpu.memory_space<vmem>>)
      tpu.yield
    }) : () -> ()
    "tpu.region"() ({
      %run_scoped3A = tpu.sem_alloc : memref<!tpu.dma_semaphore, #tpu.memory_space<semaphore_mem>>
      %dma_start3A_164 = arith.constant 0 : i32
      %dma_start3A_165 = tpu.memref_slice %arg20[%add3A_8, %dma_start3A_164] : memref<10240x32xf32, #tpu.memory_space<vmem_shared>> -> memref<128x32xf32, #tpu.memory_space<vmem_shared>>
      %dma_start3A_166 = arith.constant 0 : i32
      %dma_start3A_167 = tpu.memref_slice %arg20[%add3A_8, %dma_start3A_166] : memref<10240x32xf32, #tpu.memory_space<vmem_shared>> -> memref<128x32xf32, #tpu.memory_space<vmem_shared>>
      tpu.enqueue_dma source(%arg18 : memref<128x32xf32, #tpu.memory_space<vmem>>) target(%dma_start3A_167 : memref<128x32xf32, #tpu.memory_space<vmem_shared>>) target_semaphore(%run_scoped3A : memref<!tpu.dma_semaphore, #tpu.memory_space<semaphore_mem>>)
      %dma_wait3A_168 = arith.constant 0 : i32
      %dma_wait3A_169 = tpu.memref_slice %arg20[%add3A_8, %dma_wait3A_168] : memref<10240x32xf32, #tpu.memory_space<vmem_shared>> -> memref<128x32xf32, #tpu.memory_space<vmem_shared>>
      %dma_wait3A_170 = arith.constant 0 : i32
      %dma_wait3A_171 = tpu.memref_slice %arg20[%add3A_8, %dma_wait3A_170] : memref<10240x32xf32, #tpu.memory_space<vmem_shared>> -> memref<128x32xf32, #tpu.memory_space<vmem_shared>>
      tpu.wait_dma2 semaphore(%run_scoped3A : memref<!tpu.dma_semaphore, #tpu.memory_space<semaphore_mem>>) src(%arg18 : memref<128x32xf32, #tpu.memory_space<vmem>>) dst(%dma_wait3A_171 : memref<128x32xf32, #tpu.memory_space<vmem_shared>>)
      tpu.yield
    }) : () -> ()
    %add3A_9 = arith.constant 384 : i32
    %add3A_10 = arith.addi %mul3A_2, %add3A_9 : i32
    "tpu.region"() ({
      %run_scoped3A = tpu.sem_alloc : memref<!tpu.dma_semaphore, #tpu.memory_space<semaphore_mem>>
      %dma_start3A_164 = arith.constant 0 : i32
      %dma_start3A_165 = tpu.memref_slice %arg6[%add3A_10, %dma_start3A_164] : memref<10240x32xf32, #tpu.memory_space<hbm>> -> memref<128x32xf32, #tpu.memory_space<hbm>>
      %dma_start3A_166 = arith.constant 0 : i32
      %dma_start3A_167 = tpu.memref_slice %arg6[%add3A_10, %dma_start3A_166] : memref<10240x32xf32, #tpu.memory_space<hbm>> -> memref<128x32xf32, #tpu.memory_space<hbm>>
      tpu.enqueue_dma source(%dma_start3A_167 : memref<128x32xf32, #tpu.memory_space<hbm>>) target(%arg18 : memref<128x32xf32, #tpu.memory_space<vmem>>) target_semaphore(%run_scoped3A : memref<!tpu.dma_semaphore, #tpu.memory_space<semaphore_mem>>)
      %dma_wait3A_168 = arith.constant 0 : i32
      %dma_wait3A_169 = tpu.memref_slice %arg6[%add3A_10, %dma_wait3A_168] : memref<10240x32xf32, #tpu.memory_space<hbm>> -> memref<128x32xf32, #tpu.memory_space<hbm>>
      %dma_wait3A_170 = arith.constant 0 : i32
      %dma_wait3A_171 = tpu.memref_slice %arg6[%add3A_10, %dma_wait3A_170] : memref<10240x32xf32, #tpu.memory_space<hbm>> -> memref<128x32xf32, #tpu.memory_space<hbm>>
      tpu.wait_dma2 semaphore(%run_scoped3A : memref<!tpu.dma_semaphore, #tpu.memory_space<semaphore_mem>>) src(%dma_wait3A_171 : memref<128x32xf32, #tpu.memory_space<hbm>>) dst(%arg18 : memref<128x32xf32, #tpu.memory_space<vmem>>)
      tpu.yield
    }) : () -> ()
    "tpu.region"() ({
      %run_scoped3A = tpu.sem_alloc : memref<!tpu.dma_semaphore, #tpu.memory_space<semaphore_mem>>
      %dma_start3A_164 = arith.constant 0 : i32
      %dma_start3A_165 = tpu.memref_slice %arg20[%add3A_10, %dma_start3A_164] : memref<10240x32xf32, #tpu.memory_space<vmem_shared>> -> memref<128x32xf32, #tpu.memory_space<vmem_shared>>
      %dma_start3A_166 = arith.constant 0 : i32
      %dma_start3A_167 = tpu.memref_slice %arg20[%add3A_10, %dma_start3A_166] : memref<10240x32xf32, #tpu.memory_space<vmem_shared>> -> memref<128x32xf32, #tpu.memory_space<vmem_shared>>
      tpu.enqueue_dma source(%arg18 : memref<128x32xf32, #tpu.memory_space<vmem>>) target(%dma_start3A_167 : memref<128x32xf32, #tpu.memory_space<vmem_shared>>) target_semaphore(%run_scoped3A : memref<!tpu.dma_semaphore, #tpu.memory_space<semaphore_mem>>)
      %dma_wait3A_168 = arith.constant 0 : i32
      %dma_wait3A_169 = tpu.memref_slice %arg20[%add3A_10, %dma_wait3A_168] : memref<10240x32xf32, #tpu.memory_space<vmem_shared>> -> memref<128x32xf32, #tpu.memory_space<vmem_shared>>
      %dma_wait3A_170 = arith.constant 0 : i32
      %dma_wait3A_171 = tpu.memref_slice %arg20[%add3A_10, %dma_wait3A_170] : memref<10240x32xf32, #tpu.memory_space<vmem_shared>> -> memref<128x32xf32, #tpu.memory_space<vmem_shared>>
      tpu.wait_dma2 semaphore(%run_scoped3A : memref<!tpu.dma_semaphore, #tpu.memory_space<semaphore_mem>>) src(%arg18 : memref<128x32xf32, #tpu.memory_space<vmem>>) dst(%dma_wait3A_171 : memref<128x32xf32, #tpu.memory_space<vmem_shared>>)
      tpu.yield
    }) : () -> ()
    %add3A_11 = arith.constant 512 : i32
    %add3A_12 = arith.addi %mul3A_2, %add3A_11 : i32
    "tpu.region"() ({
      %run_scoped3A = tpu.sem_alloc : memref<!tpu.dma_semaphore, #tpu.memory_space<semaphore_mem>>
      %dma_start3A_164 = arith.constant 0 : i32
      %dma_start3A_165 = tpu.memref_slice %arg6[%add3A_12, %dma_start3A_164] : memref<10240x32xf32, #tpu.memory_space<hbm>> -> memref<128x32xf32, #tpu.memory_space<hbm>>
      %dma_start3A_166 = arith.constant 0 : i32
      %dma_start3A_167 = tpu.memref_slice %arg6[%add3A_12, %dma_start3A_166] : memref<10240x32xf32, #tpu.memory_space<hbm>> -> memref<128x32xf32, #tpu.memory_space<hbm>>
      tpu.enqueue_dma source(%dma_start3A_167 : memref<128x32xf32, #tpu.memory_space<hbm>>) target(%arg18 : memref<128x32xf32, #tpu.memory_space<vmem>>) target_semaphore(%run_scoped3A : memref<!tpu.dma_semaphore, #tpu.memory_space<semaphore_mem>>)
      %dma_wait3A_168 = arith.constant 0 : i32
      %dma_wait3A_169 = tpu.memref_slice %arg6[%add3A_12, %dma_wait3A_168] : memref<10240x32xf32, #tpu.memory_space<hbm>> -> memref<128x32xf32, #tpu.memory_space<hbm>>
      %dma_wait3A_170 = arith.constant 0 : i32
      %dma_wait3A_171 = tpu.memref_slice %arg6[%add3A_12, %dma_wait3A_170] : memref<10240x32xf32, #tpu.memory_space<hbm>> -> memref<128x32xf32, #tpu.memory_space<hbm>>
      tpu.wait_dma2 semaphore(%run_scoped3A : memref<!tpu.dma_semaphore, #tpu.memory_space<semaphore_mem>>) src(%dma_wait3A_171 : memref<128x32xf32, #tpu.memory_space<hbm>>) dst(%arg18 : memref<128x32xf32, #tpu.memory_space<vmem>>)
      tpu.yield
    }) : () -> ()
    "tpu.region"() ({
      %run_scoped3A = tpu.sem_alloc : memref<!tpu.dma_semaphore, #tpu.memory_space<semaphore_mem>>
      %dma_start3A_164 = arith.constant 0 : i32
      %dma_start3A_165 = tpu.memref_slice %arg20[%add3A_12, %dma_start3A_164] : memref<10240x32xf32, #tpu.memory_space<vmem_shared>> -> memref<128x32xf32, #tpu.memory_space<vmem_shared>>
      %dma_start3A_166 = arith.constant 0 : i32
      %dma_start3A_167 = tpu.memref_slice %arg20[%add3A_12, %dma_start3A_166] : memref<10240x32xf32, #tpu.memory_space<vmem_shared>> -> memref<128x32xf32, #tpu.memory_space<vmem_shared>>
      tpu.enqueue_dma source(%arg18 : memref<128x32xf32, #tpu.memory_space<vmem>>) target(%dma_start3A_167 : memref<128x32xf32, #tpu.memory_space<vmem_shared>>) target_semaphore(%run_scoped3A : memref<!tpu.dma_semaphore, #tpu.memory_space<semaphore_mem>>)
      %dma_wait3A_168 = arith.constant 0 : i32
      %dma_wait3A_169 = tpu.memref_slice %arg20[%add3A_12, %dma_wait3A_168] : memref<10240x32xf32, #tpu.memory_space<vmem_shared>> -> memref<128x32xf32, #tpu.memory_space<vmem_shared>>
      %dma_wait3A_170 = arith.constant 0 : i32
      %dma_wait3A_171 = tpu.memref_slice %arg20[%add3A_12, %dma_wait3A_170] : memref<10240x32xf32, #tpu.memory_space<vmem_shared>> -> memref<128x32xf32, #tpu.memory_space<vmem_shared>>
      tpu.wait_dma2 semaphore(%run_scoped3A : memref<!tpu.dma_semaphore, #tpu.memory_space<semaphore_mem>>) src(%arg18 : memref<128x32xf32, #tpu.memory_space<vmem>>) dst(%dma_wait3A_171 : memref<128x32xf32, #tpu.memory_space<vmem_shared>>)
      tpu.yield
    }) : () -> ()
    %add3A_13 = arith.constant 0 : i32
    %add3A_14 = arith.addi %mul3A_2, %add3A_13 : i32
    "tpu.region"() ({
      %run_scoped3A = tpu.sem_alloc : memref<!tpu.dma_semaphore, #tpu.memory_space<semaphore_mem>>
      %dma_start3A_164 = arith.constant 0 : i32
      %dma_start3A_165 = tpu.memref_slice %arg2[%add3A_14, %dma_start3A_164] : memref<10240x80xf32, #tpu.memory_space<hbm>> -> memref<128x80xf32, #tpu.memory_space<hbm>>
      %dma_start3A_166 = arith.constant 0 : i32
      %dma_start3A_167 = tpu.memref_slice %arg2[%add3A_14, %dma_start3A_166] : memref<10240x80xf32, #tpu.memory_space<hbm>> -> memref<128x80xf32, #tpu.memory_space<hbm>>
      tpu.enqueue_dma source(%dma_start3A_167 : memref<128x80xf32, #tpu.memory_space<hbm>>) target(%arg17 : memref<128x80xf32, #tpu.memory_space<vmem>>) target_semaphore(%run_scoped3A : memref<!tpu.dma_semaphore, #tpu.memory_space<semaphore_mem>>)
      %dma_wait3A_168 = arith.constant 0 : i32
      %dma_wait3A_169 = tpu.memref_slice %arg2[%add3A_14, %dma_wait3A_168] : memref<10240x80xf32, #tpu.memory_space<hbm>> -> memref<128x80xf32, #tpu.memory_space<hbm>>
      %dma_wait3A_170 = arith.constant 0 : i32
      %dma_wait3A_171 = tpu.memref_slice %arg2[%add3A_14, %dma_wait3A_170] : memref<10240x80xf32, #tpu.memory_space<hbm>> -> memref<128x80xf32, #tpu.memory_space<hbm>>
      tpu.wait_dma2 semaphore(%run_scoped3A : memref<!tpu.dma_semaphore, #tpu.memory_space<semaphore_mem>>) src(%dma_wait3A_171 : memref<128x80xf32, #tpu.memory_space<hbm>>) dst(%arg17 : memref<128x80xf32, #tpu.memory_space<vmem>>)
      tpu.yield
    }) : () -> ()
    "tpu.region"() ({
      %run_scoped3A = tpu.sem_alloc : memref<!tpu.dma_semaphore, #tpu.memory_space<semaphore_mem>>
      %dma_start3A_164 = arith.constant 0 : i32
      %dma_start3A_165 = tpu.memref_slice %arg19[%add3A_14, %dma_start3A_164] : memref<10240x80xf32, #tpu.memory_space<vmem_shared>> -> memref<128x80xf32, #tpu.memory_space<vmem_shared>>
      %dma_start3A_166 = arith.constant 0 : i32
      %dma_start3A_167 = tpu.memref_slice %arg19[%add3A_14, %dma_start3A_166] : memref<10240x80xf32, #tpu.memory_space<vmem_shared>> -> memref<128x80xf32, #tpu.memory_space<vmem_shared>>
      tpu.enqueue_dma source(%arg17 : memref<128x80xf32, #tpu.memory_space<vmem>>) target(%dma_start3A_167 : memref<128x80xf32, #tpu.memory_space<vmem_shared>>) target_semaphore(%run_scoped3A : memref<!tpu.dma_semaphore, #tpu.memory_space<semaphore_mem>>)
      %dma_wait3A_168 = arith.constant 0 : i32
      %dma_wait3A_169 = tpu.memref_slice %arg19[%add3A_14, %dma_wait3A_168] : memref<10240x80xf32, #tpu.memory_space<vmem_shared>> -> memref<128x80xf32, #tpu.memory_space<vmem_shared>>
      %dma_wait3A_170 = arith.constant 0 : i32
      %dma_wait3A_171 = tpu.memref_slice %arg19[%add3A_14, %dma_wait3A_170] : memref<10240x80xf32, #tpu.memory_space<vmem_shared>> -> memref<128x80xf32, #tpu.memory_space<vmem_shared>>
      tpu.wait_dma2 semaphore(%run_scoped3A : memref<!tpu.dma_semaphore, #tpu.memory_space<semaphore_mem>>) src(%arg17 : memref<128x80xf32, #tpu.memory_space<vmem>>) dst(%dma_wait3A_171 : memref<128x80xf32, #tpu.memory_space<vmem_shared>>)
      tpu.yield
    }) : () -> ()
    %add3A_15 = arith.constant 128 : i32
    %add3A_16 = arith.addi %mul3A_2, %add3A_15 : i32
    "tpu.region"() ({
      %run_scoped3A = tpu.sem_alloc : memref<!tpu.dma_semaphore, #tpu.memory_space<semaphore_mem>>
      %dma_start3A_164 = arith.constant 0 : i32
      %dma_start3A_165 = tpu.memref_slice %arg2[%add3A_16, %dma_start3A_164] : memref<10240x80xf32, #tpu.memory_space<hbm>> -> memref<128x80xf32, #tpu.memory_space<hbm>>
      %dma_start3A_166 = arith.constant 0 : i32
      %dma_start3A_167 = tpu.memref_slice %arg2[%add3A_16, %dma_start3A_166] : memref<10240x80xf32, #tpu.memory_space<hbm>> -> memref<128x80xf32, #tpu.memory_space<hbm>>
      tpu.enqueue_dma source(%dma_start3A_167 : memref<128x80xf32, #tpu.memory_space<hbm>>) target(%arg17 : memref<128x80xf32, #tpu.memory_space<vmem>>) target_semaphore(%run_scoped3A : memref<!tpu.dma_semaphore, #tpu.memory_space<semaphore_mem>>)
      %dma_wait3A_168 = arith.constant 0 : i32
      %dma_wait3A_169 = tpu.memref_slice %arg2[%add3A_16, %dma_wait3A_168] : memref<10240x80xf32, #tpu.memory_space<hbm>> -> memref<128x80xf32, #tpu.memory_space<hbm>>
      %dma_wait3A_170 = arith.constant 0 : i32
      %dma_wait3A_171 = tpu.memref_slice %arg2[%add3A_16, %dma_wait3A_170] : memref<10240x80xf32, #tpu.memory_space<hbm>> -> memref<128x80xf32, #tpu.memory_space<hbm>>
      tpu.wait_dma2 semaphore(%run_scoped3A : memref<!tpu.dma_semaphore, #tpu.memory_space<semaphore_mem>>) src(%dma_wait3A_171 : memref<128x80xf32, #tpu.memory_space<hbm>>) dst(%arg17 : memref<128x80xf32, #tpu.memory_space<vmem>>)
      tpu.yield
    }) : () -> ()
    "tpu.region"() ({
      %run_scoped3A = tpu.sem_alloc : memref<!tpu.dma_semaphore, #tpu.memory_space<semaphore_mem>>
      %dma_start3A_164 = arith.constant 0 : i32
      %dma_start3A_165 = tpu.memref_slice %arg19[%add3A_16, %dma_start3A_164] : memref<10240x80xf32, #tpu.memory_space<vmem_shared>> -> memref<128x80xf32, #tpu.memory_space<vmem_shared>>
      %dma_start3A_166 = arith.constant 0 : i32
      %dma_start3A_167 = tpu.memref_slice %arg19[%add3A_16, %dma_start3A_166] : memref<10240x80xf32, #tpu.memory_space<vmem_shared>> -> memref<128x80xf32, #tpu.memory_space<vmem_shared>>
      tpu.enqueue_dma source(%arg17 : memref<128x80xf32, #tpu.memory_space<vmem>>) target(%dma_start3A_167 : memref<128x80xf32, #tpu.memory_space<vmem_shared>>) target_semaphore(%run_scoped3A : memref<!tpu.dma_semaphore, #tpu.memory_space<semaphore_mem>>)
      %dma_wait3A_168 = arith.constant 0 : i32
      %dma_wait3A_169 = tpu.memref_slice %arg19[%add3A_16, %dma_wait3A_168] : memref<10240x80xf32, #tpu.memory_space<vmem_shared>> -> memref<128x80xf32, #tpu.memory_space<vmem_shared>>
      %dma_wait3A_170 = arith.constant 0 : i32
      %dma_wait3A_171 = tpu.memref_slice %arg19[%add3A_16, %dma_wait3A_170] : memref<10240x80xf32, #tpu.memory_space<vmem_shared>> -> memref<128x80xf32, #tpu.memory_space<vmem_shared>>
      tpu.wait_dma2 semaphore(%run_scoped3A : memref<!tpu.dma_semaphore, #tpu.memory_space<semaphore_mem>>) src(%arg17 : memref<128x80xf32, #tpu.memory_space<vmem>>) dst(%dma_wait3A_171 : memref<128x80xf32, #tpu.memory_space<vmem_shared>>)
      tpu.yield
    }) : () -> ()
    %add3A_17 = arith.constant 256 : i32
    %add3A_18 = arith.addi %mul3A_2, %add3A_17 : i32
    "tpu.region"() ({
      %run_scoped3A = tpu.sem_alloc : memref<!tpu.dma_semaphore, #tpu.memory_space<semaphore_mem>>
      %dma_start3A_164 = arith.constant 0 : i32
      %dma_start3A_165 = tpu.memref_slice %arg2[%add3A_18, %dma_start3A_164] : memref<10240x80xf32, #tpu.memory_space<hbm>> -> memref<128x80xf32, #tpu.memory_space<hbm>>
      %dma_start3A_166 = arith.constant 0 : i32
      %dma_start3A_167 = tpu.memref_slice %arg2[%add3A_18, %dma_start3A_166] : memref<10240x80xf32, #tpu.memory_space<hbm>> -> memref<128x80xf32, #tpu.memory_space<hbm>>
      tpu.enqueue_dma source(%dma_start3A_167 : memref<128x80xf32, #tpu.memory_space<hbm>>) target(%arg17 : memref<128x80xf32, #tpu.memory_space<vmem>>) target_semaphore(%run_scoped3A : memref<!tpu.dma_semaphore, #tpu.memory_space<semaphore_mem>>)
      %dma_wait3A_168 = arith.constant 0 : i32
      %dma_wait3A_169 = tpu.memref_slice %arg2[%add3A_18, %dma_wait3A_168] : memref<10240x80xf32, #tpu.memory_space<hbm>> -> memref<128x80xf32, #tpu.memory_space<hbm>>
      %dma_wait3A_170 = arith.constant 0 : i32
      %dma_wait3A_171 = tpu.memref_slice %arg2[%add3A_18, %dma_wait3A_170] : memref<10240x80xf32, #tpu.memory_space<hbm>> -> memref<128x80xf32, #tpu.memory_space<hbm>>
      tpu.wait_dma2 semaphore(%run_scoped3A : memref<!tpu.dma_semaphore, #tpu.memory_space<semaphore_mem>>) src(%dma_wait3A_171 : memref<128x80xf32, #tpu.memory_space<hbm>>) dst(%arg17 : memref<128x80xf32, #tpu.memory_space<vmem>>)
      tpu.yield
    }) : () -> ()
    "tpu.region"() ({
      %run_scoped3A = tpu.sem_alloc : memref<!tpu.dma_semaphore, #tpu.memory_space<semaphore_mem>>
      %dma_start3A_164 = arith.constant 0 : i32
      %dma_start3A_165 = tpu.memref_slice %arg19[%add3A_18, %dma_start3A_164] : memref<10240x80xf32, #tpu.memory_space<vmem_shared>> -> memref<128x80xf32, #tpu.memory_space<vmem_shared>>
      %dma_start3A_166 = arith.constant 0 : i32
      %dma_start3A_167 = tpu.memref_slice %arg19[%add3A_18, %dma_start3A_166] : memref<10240x80xf32, #tpu.memory_space<vmem_shared>> -> memref<128x80xf32, #tpu.memory_space<vmem_shared>>
      tpu.enqueue_dma source(%arg17 : memref<128x80xf32, #tpu.memory_space<vmem>>) target(%dma_start3A_167 : memref<128x80xf32, #tpu.memory_space<vmem_shared>>) target_semaphore(%run_scoped3A : memref<!tpu.dma_semaphore, #tpu.memory_space<semaphore_mem>>)
      %dma_wait3A_168 = arith.constant 0 : i32
      %dma_wait3A_169 = tpu.memref_slice %arg19[%add3A_18, %dma_wait3A_168] : memref<10240x80xf32, #tpu.memory_space<vmem_shared>> -> memref<128x80xf32, #tpu.memory_space<vmem_shared>>
      %dma_wait3A_170 = arith.constant 0 : i32
      %dma_wait3A_171 = tpu.memref_slice %arg19[%add3A_18, %dma_wait3A_170] : memref<10240x80xf32, #tpu.memory_space<vmem_shared>> -> memref<128x80xf32, #tpu.memory_space<vmem_shared>>
      tpu.wait_dma2 semaphore(%run_scoped3A : memref<!tpu.dma_semaphore, #tpu.memory_space<semaphore_mem>>) src(%arg17 : memref<128x80xf32, #tpu.memory_space<vmem>>) dst(%dma_wait3A_171 : memref<128x80xf32, #tpu.memory_space<vmem_shared>>)
      tpu.yield
    }) : () -> ()
    %add3A_19 = arith.constant 384 : i32
    %add3A_20 = arith.addi %mul3A_2, %add3A_19 : i32
    "tpu.region"() ({
      %run_scoped3A = tpu.sem_alloc : memref<!tpu.dma_semaphore, #tpu.memory_space<semaphore_mem>>
      %dma_start3A_164 = arith.constant 0 : i32
      %dma_start3A_165 = tpu.memref_slice %arg2[%add3A_20, %dma_start3A_164] : memref<10240x80xf32, #tpu.memory_space<hbm>> -> memref<128x80xf32, #tpu.memory_space<hbm>>
      %dma_start3A_166 = arith.constant 0 : i32
      %dma_start3A_167 = tpu.memref_slice %arg2[%add3A_20, %dma_start3A_166] : memref<10240x80xf32, #tpu.memory_space<hbm>> -> memref<128x80xf32, #tpu.memory_space<hbm>>
      tpu.enqueue_dma source(%dma_start3A_167 : memref<128x80xf32, #tpu.memory_space<hbm>>) target(%arg17 : memref<128x80xf32, #tpu.memory_space<vmem>>) target_semaphore(%run_scoped3A : memref<!tpu.dma_semaphore, #tpu.memory_space<semaphore_mem>>)
      %dma_wait3A_168 = arith.constant 0 : i32
      %dma_wait3A_169 = tpu.memref_slice %arg2[%add3A_20, %dma_wait3A_168] : memref<10240x80xf32, #tpu.memory_space<hbm>> -> memref<128x80xf32, #tpu.memory_space<hbm>>
      %dma_wait3A_170 = arith.constant 0 : i32
      %dma_wait3A_171 = tpu.memref_slice %arg2[%add3A_20, %dma_wait3A_170] : memref<10240x80xf32, #tpu.memory_space<hbm>> -> memref<128x80xf32, #tpu.memory_space<hbm>>
      tpu.wait_dma2 semaphore(%run_scoped3A : memref<!tpu.dma_semaphore, #tpu.memory_space<semaphore_mem>>) src(%dma_wait3A_171 : memref<128x80xf32, #tpu.memory_space<hbm>>) dst(%arg17 : memref<128x80xf32, #tpu.memory_space<vmem>>)
      tpu.yield
    }) : () -> ()
    "tpu.region"() ({
      %run_scoped3A = tpu.sem_alloc : memref<!tpu.dma_semaphore, #tpu.memory_space<semaphore_mem>>
      %dma_start3A_164 = arith.constant 0 : i32
      %dma_start3A_165 = tpu.memref_slice %arg19[%add3A_20, %dma_start3A_164] : memref<10240x80xf32, #tpu.memory_space<vmem_shared>> -> memref<128x80xf32, #tpu.memory_space<vmem_shared>>
      %dma_start3A_166 = arith.constant 0 : i32
      %dma_start3A_167 = tpu.memref_slice %arg19[%add3A_20, %dma_start3A_166] : memref<10240x80xf32, #tpu.memory_space<vmem_shared>> -> memref<128x80xf32, #tpu.memory_space<vmem_shared>>
      tpu.enqueue_dma source(%arg17 : memref<128x80xf32, #tpu.memory_space<vmem>>) target(%dma_start3A_167 : memref<128x80xf32, #tpu.memory_space<vmem_shared>>) target_semaphore(%run_scoped3A : memref<!tpu.dma_semaphore, #tpu.memory_space<semaphore_mem>>)
      %dma_wait3A_168 = arith.constant 0 : i32
      %dma_wait3A_169 = tpu.memref_slice %arg19[%add3A_20, %dma_wait3A_168] : memref<10240x80xf32, #tpu.memory_space<vmem_shared>> -> memref<128x80xf32, #tpu.memory_space<vmem_shared>>
      %dma_wait3A_170 = arith.constant 0 : i32
      %dma_wait3A_171 = tpu.memref_slice %arg19[%add3A_20, %dma_wait3A_170] : memref<10240x80xf32, #tpu.memory_space<vmem_shared>> -> memref<128x80xf32, #tpu.memory_space<vmem_shared>>
      tpu.wait_dma2 semaphore(%run_scoped3A : memref<!tpu.dma_semaphore, #tpu.memory_space<semaphore_mem>>) src(%arg17 : memref<128x80xf32, #tpu.memory_space<vmem>>) dst(%dma_wait3A_171 : memref<128x80xf32, #tpu.memory_space<vmem_shared>>)
      tpu.yield
    }) : () -> ()
    %add3A_21 = arith.constant 512 : i32
    %add3A_22 = arith.addi %mul3A_2, %add3A_21 : i32
    "tpu.region"() ({
      %run_scoped3A = tpu.sem_alloc : memref<!tpu.dma_semaphore, #tpu.memory_space<semaphore_mem>>
      %dma_start3A_164 = arith.constant 0 : i32
      %dma_start3A_165 = tpu.memref_slice %arg2[%add3A_22, %dma_start3A_164] : memref<10240x80xf32, #tpu.memory_space<hbm>> -> memref<128x80xf32, #tpu.memory_space<hbm>>
      %dma_start3A_166 = arith.constant 0 : i32
      %dma_start3A_167 = tpu.memref_slice %arg2[%add3A_22, %dma_start3A_166] : memref<10240x80xf32, #tpu.memory_space<hbm>> -> memref<128x80xf32, #tpu.memory_space<hbm>>
      tpu.enqueue_dma source(%dma_start3A_167 : memref<128x80xf32, #tpu.memory_space<hbm>>) target(%arg17 : memref<128x80xf32, #tpu.memory_space<vmem>>) target_semaphore(%run_scoped3A : memref<!tpu.dma_semaphore, #tpu.memory_space<semaphore_mem>>)
      %dma_wait3A_168 = arith.constant 0 : i32
      %dma_wait3A_169 = tpu.memref_slice %arg2[%add3A_22, %dma_wait3A_168] : memref<10240x80xf32, #tpu.memory_space<hbm>> -> memref<128x80xf32, #tpu.memory_space<hbm>>
      %dma_wait3A_170 = arith.constant 0 : i32
      %dma_wait3A_171 = tpu.memref_slice %arg2[%add3A_22, %dma_wait3A_170] : memref<10240x80xf32, #tpu.memory_space<hbm>> -> memref<128x80xf32, #tpu.memory_space<hbm>>
      tpu.wait_dma2 semaphore(%run_scoped3A : memref<!tpu.dma_semaphore, #tpu.memory_space<semaphore_mem>>) src(%dma_wait3A_171 : memref<128x80xf32, #tpu.memory_space<hbm>>) dst(%arg17 : memref<128x80xf32, #tpu.memory_space<vmem>>)
      tpu.yield
    }) : () -> ()
    "tpu.region"() ({
      %run_scoped3A = tpu.sem_alloc : memref<!tpu.dma_semaphore, #tpu.memory_space<semaphore_mem>>
      %dma_start3A_164 = arith.constant 0 : i32
      %dma_start3A_165 = tpu.memref_slice %arg19[%add3A_22, %dma_start3A_164] : memref<10240x80xf32, #tpu.memory_space<vmem_shared>> -> memref<128x80xf32, #tpu.memory_space<vmem_shared>>
      %dma_start3A_166 = arith.constant 0 : i32
      %dma_start3A_167 = tpu.memref_slice %arg19[%add3A_22, %dma_start3A_166] : memref<10240x80xf32, #tpu.memory_space<vmem_shared>> -> memref<128x80xf32, #tpu.memory_space<vmem_shared>>
      tpu.enqueue_dma source(%arg17 : memref<128x80xf32, #tpu.memory_space<vmem>>) target(%dma_start3A_167 : memref<128x80xf32, #tpu.memory_space<vmem_shared>>) target_semaphore(%run_scoped3A : memref<!tpu.dma_semaphore, #tpu.memory_space<semaphore_mem>>)
      %dma_wait3A_168 = arith.constant 0 : i32
      %dma_wait3A_169 = tpu.memref_slice %arg19[%add3A_22, %dma_wait3A_168] : memref<10240x80xf32, #tpu.memory_space<vmem_shared>> -> memref<128x80xf32, #tpu.memory_space<vmem_shared>>
      %dma_wait3A_170 = arith.constant 0 : i32
      %dma_wait3A_171 = tpu.memref_slice %arg19[%add3A_22, %dma_wait3A_170] : memref<10240x80xf32, #tpu.memory_space<vmem_shared>> -> memref<128x80xf32, #tpu.memory_space<vmem_shared>>
      tpu.wait_dma2 semaphore(%run_scoped3A : memref<!tpu.dma_semaphore, #tpu.memory_space<semaphore_mem>>) src(%arg17 : memref<128x80xf32, #tpu.memory_space<vmem>>) dst(%dma_wait3A_171 : memref<128x80xf32, #tpu.memory_space<vmem_shared>>)
      tpu.yield
    }) : () -> ()
    "tpu.region"() ({
      %run_scoped3A = tpu.sem_alloc : memref<!tpu.dma_semaphore, #tpu.memory_space<semaphore_mem>>
      %dma_start3A_164 = arith.constant 0 : i32
      %dma_start3A_165 = arith.constant 0 : i32
      %dma_start3A_166 = tpu.memref_slice %arg3[%add3A, %dma_start3A_164, %dma_start3A_165] : memref<32x44x128xi32, #tpu.memory_space<hbm>> -> memref<1x44x128xi32, #tpu.memory_space<hbm>>
      %dma_start3A_167 = tpu.memref_squeeze %dma_start3A_166 : memref<1x44x128xi32, #tpu.memory_space<hbm>> -> memref<44x128xi32, #tpu.memory_space<hbm>>
      %dma_start3A_168 = arith.constant 0 : i32
      %dma_start3A_169 = arith.constant 0 : i32
      %dma_start3A_170 = tpu.memref_slice %arg3[%add3A, %dma_start3A_168, %dma_start3A_169] : memref<32x44x128xi32, #tpu.memory_space<hbm>> -> memref<1x44x128xi32, #tpu.memory_space<hbm>>
      %dma_start3A_171 = tpu.memref_squeeze %dma_start3A_170 : memref<1x44x128xi32, #tpu.memory_space<hbm>> -> memref<44x128xi32, #tpu.memory_space<hbm>>
      tpu.enqueue_dma source(%dma_start3A_171 : memref<44x128xi32, #tpu.memory_space<hbm>>) target(%arg8 : memref<44x128xi32, #tpu.memory_space<vmem>>) target_semaphore(%run_scoped3A : memref<!tpu.dma_semaphore, #tpu.memory_space<semaphore_mem>>)
      %dma_wait3A_172 = arith.constant 0 : i32
      %dma_wait3A_173 = arith.constant 0 : i32
      %dma_wait3A_174 = tpu.memref_slice %arg3[%add3A, %dma_wait3A_172, %dma_wait3A_173] : memref<32x44x128xi32, #tpu.memory_space<hbm>> -> memref<1x44x128xi32, #tpu.memory_space<hbm>>
      %dma_wait3A_175 = tpu.memref_squeeze %dma_wait3A_174 : memref<1x44x128xi32, #tpu.memory_space<hbm>> -> memref<44x128xi32, #tpu.memory_space<hbm>>
      %dma_wait3A_176 = arith.constant 0 : i32
      %dma_wait3A_177 = arith.constant 0 : i32
      %dma_wait3A_178 = tpu.memref_slice %arg3[%add3A, %dma_wait3A_176, %dma_wait3A_177] : memref<32x44x128xi32, #tpu.memory_space<hbm>> -> memref<1x44x128xi32, #tpu.memory_space<hbm>>
      %dma_wait3A_179 = tpu.memref_squeeze %dma_wait3A_178 : memref<1x44x128xi32, #tpu.memory_space<hbm>> -> memref<44x128xi32, #tpu.memory_space<hbm>>
      tpu.wait_dma2 semaphore(%run_scoped3A : memref<!tpu.dma_semaphore, #tpu.memory_space<semaphore_mem>>) src(%dma_wait3A_179 : memref<44x128xi32, #tpu.memory_space<hbm>>) dst(%arg8 : memref<44x128xi32, #tpu.memory_space<vmem>>)
      tpu.yield
    }) : () -> ()
    "tpu.region"() ({
      %run_scoped3A = tpu.sem_alloc : memref<!tpu.dma_semaphore, #tpu.memory_space<semaphore_mem>>
      %dma_start3A_164 = arith.constant 0 : i32
      %dma_start3A_165 = arith.constant 0 : i32
      %dma_start3A_166 = tpu.memref_slice %arg4[%add3A, %dma_start3A_164, %dma_start3A_165] : memref<32x44x128xi32, #tpu.memory_space<hbm>> -> memref<1x44x128xi32, #tpu.memory_space<hbm>>
      %dma_start3A_167 = tpu.memref_squeeze %dma_start3A_166 : memref<1x44x128xi32, #tpu.memory_space<hbm>> -> memref<44x128xi32, #tpu.memory_space<hbm>>
      %dma_start3A_168 = arith.constant 0 : i32
      %dma_start3A_169 = arith.constant 0 : i32
      %dma_start3A_170 = tpu.memref_slice %arg4[%add3A, %dma_start3A_168, %dma_start3A_169] : memref<32x44x128xi32, #tpu.memory_space<hbm>> -> memref<1x44x128xi32, #tpu.memory_space<hbm>>
      %dma_start3A_171 = tpu.memref_squeeze %dma_start3A_170 : memref<1x44x128xi32, #tpu.memory_space<hbm>> -> memref<44x128xi32, #tpu.memory_space<hbm>>
      tpu.enqueue_dma source(%dma_start3A_171 : memref<44x128xi32, #tpu.memory_space<hbm>>) target(%arg9 : memref<44x128xi32, #tpu.memory_space<vmem>>) target_semaphore(%run_scoped3A : memref<!tpu.dma_semaphore, #tpu.memory_space<semaphore_mem>>)
      %dma_wait3A_172 = arith.constant 0 : i32
      %dma_wait3A_173 = arith.constant 0 : i32
      %dma_wait3A_174 = tpu.memref_slice %arg4[%add3A, %dma_wait3A_172, %dma_wait3A_173] : memref<32x44x128xi32, #tpu.memory_space<hbm>> -> memref<1x44x128xi32, #tpu.memory_space<hbm>>
      %dma_wait3A_175 = tpu.memref_squeeze %dma_wait3A_174 : memref<1x44x128xi32, #tpu.memory_space<hbm>> -> memref<44x128xi32, #tpu.memory_space<hbm>>
      %dma_wait3A_176 = arith.constant 0 : i32
      %dma_wait3A_177 = arith.constant 0 : i32
      %dma_wait3A_178 = tpu.memref_slice %arg4[%add3A, %dma_wait3A_176, %dma_wait3A_177] : memref<32x44x128xi32, #tpu.memory_space<hbm>> -> memref<1x44x128xi32, #tpu.memory_space<hbm>>
      %dma_wait3A_179 = tpu.memref_squeeze %dma_wait3A_178 : memref<1x44x128xi32, #tpu.memory_space<hbm>> -> memref<44x128xi32, #tpu.memory_space<hbm>>
      tpu.wait_dma2 semaphore(%run_scoped3A : memref<!tpu.dma_semaphore, #tpu.memory_space<semaphore_mem>>) src(%dma_wait3A_179 : memref<44x128xi32, #tpu.memory_space<hbm>>) dst(%arg9 : memref<44x128xi32, #tpu.memory_space<vmem>>)
      tpu.yield
    }) : () -> ()
    %iota3A = tpu.iota {dimensions = array<i32: 0>} : vector<16xi32>
    %eq3A = arith.constant 0 : i32
    %eq3A_23 = vector.broadcast %eq3A : i32 to vector<16xi32>
    %eq3A_24 = arith.cmpi eq, %iota3A, %eq3A_23 : vector<16xi32>
    %jit3A = arith.constant 1.000000e+00 : f32
    %jit3A_25 = arith.constant 0.000000e+00 : f32
    %broadcast_in_dim3A = vector.broadcast %jit3A : f32 to vector<16xf32>
    %broadcast_in_dim3A_26 = vector.broadcast %jit3A_25 : f32 to vector<16xf32>
    %select_n3A = arith.select %eq3A_24, %broadcast_in_dim3A, %broadcast_in_dim3A_26 : vector<16xi1>, vector<16xf32>
    %broadcast_in_dim3A_27 = arith.constant 0.000000e+00 : f32
    %broadcast_in_dim3A_28 = vector.broadcast %broadcast_in_dim3A_27 : f32 to vector<16xf32>
    %scan3A = arith.constant 0 : i32
    %scan3A_29 = arith.constant 0 : i32
    %scan3A_30 = arith.constant 128 : i32
    %scan3A_31 = arith.addi %scan3A_29, %scan3A_30 : i32
    %scan3A_32 = arith.constant 1 : i32
    scf.for %scan3A_164 = %scan3A_29 to %scan3A_31 step %scan3A_32  : i32 {
      %swap3A_165 = arith.index_cast %scan3A_164 : i32 to index
      %swap3A_166 = arith.constant 0 : index
      %swap3A_167 = tpu.vector_load %arg14[%swap3A_165, %swap3A_166] {strides = array<i32>} : memref<128x32xf32, #tpu.memory_space<vmem>>, vector<1x16xf32>,
      %swap3A_168 = vector.shape_cast %swap3A_167 : vector<1x16xf32> to vector<16xf32>
      %swap3A_169 = vector.shape_cast %broadcast_in_dim3A_28 : vector<16xf32> to vector<1x16xf32>
      tpu.vector_store %arg14[%swap3A_165, %swap3A_166], %swap3A_169 {strides = array<i32>} : memref<128x32xf32, #tpu.memory_space<vmem>>, vector<1x16xf32>,
      %swap3A_170 = arith.index_cast %scan3A_164 : i32 to index
      %swap3A_171 = arith.constant 16 : index
      %swap3A_172 = tpu.vector_load %arg14[%swap3A_170, %swap3A_171] {strides = array<i32>} : memref<128x32xf32, #tpu.memory_space<vmem>>, vector<1x16xf32>,
      %swap3A_173 = vector.shape_cast %swap3A_172 : vector<1x16xf32> to vector<16xf32>
      %swap3A_174 = vector.shape_cast %select_n3A : vector<16xf32> to vector<1x16xf32>
      tpu.vector_store %arg14[%swap3A_170, %swap3A_171], %swap3A_174 {strides = array<i32>} : memref<128x32xf32, #tpu.memory_space<vmem>>, vector<1x16xf32>,
      %swap3A_175 = arith.index_cast %scan3A_164 : i32 to index
      %swap3A_176 = arith.constant 0 : index
      %swap3A_177 = tpu.vector_load %arg15[%swap3A_175, %swap3A_176] {strides = array<i32>} : memref<128x32xf32, #tpu.memory_space<vmem>>, vector<1x16xf32>,
      %swap3A_178 = vector.shape_cast %swap3A_177 : vector<1x16xf32> to vector<16xf32>
      %swap3A_179 = vector.shape_cast %broadcast_in_dim3A_28 : vector<16xf32> to vector<1x16xf32>
      tpu.vector_store %arg15[%swap3A_175, %swap3A_176], %swap3A_179 {strides = array<i32>} : memref<128x32xf32, #tpu.memory_space<vmem>>, vector<1x16xf32>,
      %swap3A_180 = arith.index_cast %scan3A_164 : i32 to index
      %swap3A_181 = arith.constant 16 : index
      %swap3A_182 = tpu.vector_load %arg15[%swap3A_180, %swap3A_181] {strides = array<i32>} : memref<128x32xf32, #tpu.memory_space<vmem>>, vector<1x16xf32>,
      %swap3A_183 = vector.shape_cast %swap3A_182 : vector<1x16xf32> to vector<16xf32>
      %swap3A_184 = vector.shape_cast %select_n3A : vector<16xf32> to vector<1x16xf32>
      tpu.vector_store %arg15[%swap3A_180, %swap3A_181], %swap3A_184 {strides = array<i32>} : memref<128x32xf32, #tpu.memory_space<vmem>>, vector<1x16xf32>,
    }
    %scan3A_33 = arith.constant 128 : i32
    %broadcast_in_dim3A_34 = arith.constant 10000 : i32
    %broadcast_in_dim3A_35 = vector.broadcast %broadcast_in_dim3A_34 : i32 to vector<16xi32>
    %swap3A = arith.constant 0 : index
    %swap3A_36 = tpu.vector_load %arg16[%swap3A] {strides = array<i32>} : memref<128xi32, #tpu.memory_space<vmem>>, vector<16xi32>,
    %swap3A_37 = vector.shape_cast %swap3A_36 : vector<16xi32> to vector<16xi32>
    %swap3A_38 = vector.shape_cast %broadcast_in_dim3A_35 : vector<16xi32> to vector<16xi32>
    tpu.vector_store %arg16[%swap3A], %swap3A_38 {strides = array<i32>} : memref<128xi32, #tpu.memory_space<vmem>>, vector<16xi32>,
    %swap3A_39 = arith.constant 16 : index
    %swap3A_40 = tpu.vector_load %arg16[%swap3A_39] {strides = array<i32>} : memref<128xi32, #tpu.memory_space<vmem>>, vector<16xi32>,
    %swap3A_41 = vector.shape_cast %swap3A_40 : vector<16xi32> to vector<16xi32>
    %swap3A_42 = vector.shape_cast %broadcast_in_dim3A_35 : vector<16xi32> to vector<16xi32>
    tpu.vector_store %arg16[%swap3A_39], %swap3A_42 {strides = array<i32>} : memref<128xi32, #tpu.memory_space<vmem>>, vector<16xi32>,
    %swap3A_43 = arith.constant 32 : index
    %swap3A_44 = tpu.vector_load %arg16[%swap3A_43] {strides = array<i32>} : memref<128xi32, #tpu.memory_space<vmem>>, vector<16xi32>,
    %swap3A_45 = vector.shape_cast %swap3A_44 : vector<16xi32> to vector<16xi32>
    %swap3A_46 = vector.shape_cast %broadcast_in_dim3A_35 : vector<16xi32> to vector<16xi32>
    tpu.vector_store %arg16[%swap3A_43], %swap3A_46 {strides = array<i32>} : memref<128xi32, #tpu.memory_space<vmem>>, vector<16xi32>,
    %swap3A_47 = arith.constant 48 : index
    %swap3A_48 = tpu.vector_load %arg16[%swap3A_47] {strides = array<i32>} : memref<128xi32, #tpu.memory_space<vmem>>, vector<16xi32>,
    %swap3A_49 = vector.shape_cast %swap3A_48 : vector<16xi32> to vector<16xi32>
    %swap3A_50 = vector.shape_cast %broadcast_in_dim3A_35 : vector<16xi32> to vector<16xi32>
    tpu.vector_store %arg16[%swap3A_47], %swap3A_50 {strides = array<i32>} : memref<128xi32, #tpu.memory_space<vmem>>, vector<16xi32>,
    %swap3A_51 = arith.constant 64 : index
    %swap3A_52 = tpu.vector_load %arg16[%swap3A_51] {strides = array<i32>} : memref<128xi32, #tpu.memory_space<vmem>>, vector<16xi32>,
    %swap3A_53 = vector.shape_cast %swap3A_52 : vector<16xi32> to vector<16xi32>
    %swap3A_54 = vector.shape_cast %broadcast_in_dim3A_35 : vector<16xi32> to vector<16xi32>
    tpu.vector_store %arg16[%swap3A_51], %swap3A_54 {strides = array<i32>} : memref<128xi32, #tpu.memory_space<vmem>>, vector<16xi32>,
    %swap3A_55 = arith.constant 80 : index
    %swap3A_56 = tpu.vector_load %arg16[%swap3A_55] {strides = array<i32>} : memref<128xi32, #tpu.memory_space<vmem>>, vector<16xi32>,
    %swap3A_57 = vector.shape_cast %swap3A_56 : vector<16xi32> to vector<16xi32>
    %swap3A_58 = vector.shape_cast %broadcast_in_dim3A_35 : vector<16xi32> to vector<16xi32>
    tpu.vector_store %arg16[%swap3A_55], %swap3A_58 {strides = array<i32>} : memref<128xi32, #tpu.memory_space<vmem>>, vector<16xi32>,
    %swap3A_59 = arith.constant 96 : index
    %swap3A_60 = tpu.vector_load %arg16[%swap3A_59] {strides = array<i32>} : memref<128xi32, #tpu.memory_space<vmem>>, vector<16xi32>,
    %swap3A_61 = vector.shape_cast %swap3A_60 : vector<16xi32> to vector<16xi32>
    %swap3A_62 = vector.shape_cast %broadcast_in_dim3A_35 : vector<16xi32> to vector<16xi32>
    tpu.vector_store %arg16[%swap3A_59], %swap3A_62 {strides = array<i32>} : memref<128xi32, #tpu.memory_space<vmem>>, vector<16xi32>,
    %swap3A_63 = arith.constant 112 : index
    %swap3A_64 = tpu.vector_load %arg16[%swap3A_63] {strides = array<i32>} : memref<128xi32, #tpu.memory_space<vmem>>, vector<16xi32>,
    %swap3A_65 = vector.shape_cast %swap3A_64 : vector<16xi32> to vector<16xi32>
    %swap3A_66 = vector.shape_cast %broadcast_in_dim3A_35 : vector<16xi32> to vector<16xi32>
    tpu.vector_store %arg16[%swap3A_63], %swap3A_66 {strides = array<i32>} : memref<128xi32, #tpu.memory_space<vmem>>, vector<16xi32>,
    %barrier3A = arith.constant 0 : index
    tpu.barrier barrier_id(%barrier3A)
    %dma_start3A = arith.constant 0 : i32
    %dma_start3A_67 = arith.constant 0 : i32
    %dma_start3A_68 = tpu.memref_slice %arg8[%dma_start3A, %dma_start3A_67] : memref<44x128xi32, #tpu.memory_space<vmem>> -> memref<1x128xi32, #tpu.memory_space<vmem>>
    %dma_start3A_69 = tpu.memref_squeeze %dma_start3A_68 : memref<1x128xi32, #tpu.memory_space<vmem>> -> memref<128xi32, #tpu.memory_space<vmem>>
    %dma_start3A_70 = arith.constant 0 : i32
    %dma_start3A_71 = arith.constant 0 : i32
    %dma_start3A_72 = tpu.memref_slice %arg19[%dma_start3A_70, %dma_start3A_71] : memref<10240x80xf32, #tpu.memory_space<vmem_shared>> -> memref<10240x80xf32, #tpu.memory_space<vmem_shared>>
    tpu.enqueue_indirect_dma source(%dma_start3A_72 : memref<10240x80xf32, #tpu.memory_space<vmem_shared>>) target(%arg12 : memref<128x80xf32, #tpu.memory_space<vmem>>) offsets(%dma_start3A_69 : memref<128xi32, #tpu.memory_space<vmem>>) semaphore(%arg21 : memref<!tpu.dma_semaphore, #tpu.memory_space<semaphore_mem>>)
    %dma_start3A_73 = arith.constant 0 : i32
    %dma_start3A_74 = arith.constant 0 : i32
    %dma_start3A_75 = tpu.memref_slice %arg10[%dma_start3A_74] : memref<528xf32, #tpu.memory_space<vmem>> -> memref<512xf32, #tpu.memory_space<vmem>>
    %dma_start3A_76 = arith.constant 0 : i32
    %dma_start3A_77 = tpu.memref_slice %arg5[%add3A, %dma_start3A_73, %dma_start3A_76] : memref<32x44x512xf32, #tpu.memory_space<hbm>> -> memref<1x1x512xf32, #tpu.memory_space<hbm>>
    %dma_start3A_78 = tpu.memref_squeeze %dma_start3A_77 : memref<1x1x512xf32, #tpu.memory_space<hbm>> -> memref<512xf32, #tpu.memory_space<hbm>>
    %dma_start3A_79 = arith.constant 0 : i32
    %dma_start3A_80 = tpu.memref_slice %arg10[%dma_start3A_79] : memref<528xf32, #tpu.memory_space<vmem>> -> memref<512xf32, #tpu.memory_space<vmem>>
    %dma_start3A_81 = arith.constant 0 : i32
    %dma_start3A_82 = tpu.memref_slice %arg5[%add3A, %dma_start3A_73, %dma_start3A_81] : memref<32x44x512xf32, #tpu.memory_space<hbm>> -> memref<1x1x512xf32, #tpu.memory_space<hbm>>
    %dma_start3A_83 = tpu.memref_squeeze %dma_start3A_82 : memref<1x1x512xf32, #tpu.memory_space<hbm>> -> memref<512xf32, #tpu.memory_space<hbm>>
    tpu.enqueue_dma source(%dma_start3A_83 : memref<512xf32, #tpu.memory_space<hbm>>) target(%dma_start3A_80 : memref<512xf32, #tpu.memory_space<vmem>>) target_semaphore(%arg23 : memref<!tpu.dma_semaphore, #tpu.memory_space<semaphore_mem>>)
    %dma_start3A_84 = arith.constant 1 : i32
    %dma_start3A_85 = arith.constant 0 : i32
    %dma_start3A_86 = tpu.memref_slice %arg8[%dma_start3A_84, %dma_start3A_85] : memref<44x128xi32, #tpu.memory_space<vmem>> -> memref<1x128xi32, #tpu.memory_space<vmem>>
    %dma_start3A_87 = tpu.memref_squeeze %dma_start3A_86 : memref<1x128xi32, #tpu.memory_space<vmem>> -> memref<128xi32, #tpu.memory_space<vmem>>
    %dma_start3A_88 = arith.constant 0 : i32
    %dma_start3A_89 = arith.constant 0 : i32
    %dma_start3A_90 = tpu.memref_slice %arg19[%dma_start3A_88, %dma_start3A_89] : memref<10240x80xf32, #tpu.memory_space<vmem_shared>> -> memref<10240x80xf32, #tpu.memory_space<vmem_shared>>
    tpu.enqueue_indirect_dma source(%dma_start3A_90 : memref<10240x80xf32, #tpu.memory_space<vmem_shared>>) target(%arg13 : memref<128x80xf32, #tpu.memory_space<vmem>>) offsets(%dma_start3A_87 : memref<128xi32, #tpu.memory_space<vmem>>) semaphore(%arg22 : memref<!tpu.dma_semaphore, #tpu.memory_space<semaphore_mem>>)
    %dma_start3A_91 = arith.constant 1 : i32
    %dma_start3A_92 = arith.constant 0 : i32
    %dma_start3A_93 = tpu.memref_slice %arg11[%dma_start3A_92] : memref<528xf32, #tpu.memory_space<vmem>> -> memref<512xf32, #tpu.memory_space<vmem>>
    %dma_start3A_94 = arith.constant 0 : i32
    %dma_start3A_95 = tpu.memref_slice %arg5[%add3A, %dma_start3A_91, %dma_start3A_94] : memref<32x44x512xf32, #tpu.memory_space<hbm>> -> memref<1x1x512xf32, #tpu.memory_space<hbm>>
    %dma_start3A_96 = tpu.memref_squeeze %dma_start3A_95 : memref<1x1x512xf32, #tpu.memory_space<hbm>> -> memref<512xf32, #tpu.memory_space<hbm>>
    %dma_start3A_97 = arith.constant 0 : i32
    %dma_start3A_98 = tpu.memref_slice %arg11[%dma_start3A_97] : memref<528xf32, #tpu.memory_space<vmem>> -> memref<512xf32, #tpu.memory_space<vmem>>
    %dma_start3A_99 = arith.constant 0 : i32
    %dma_start3A_100 = tpu.memref_slice %arg5[%add3A, %dma_start3A_91, %dma_start3A_99] : memref<32x44x512xf32, #tpu.memory_space<hbm>> -> memref<1x1x512xf32, #tpu.memory_space<hbm>>
    %dma_start3A_101 = tpu.memref_squeeze %dma_start3A_100 : memref<1x1x512xf32, #tpu.memory_space<hbm>> -> memref<512xf32, #tpu.memory_space<hbm>>
    tpu.enqueue_dma source(%dma_start3A_101 : memref<512xf32, #tpu.memory_space<hbm>>) target(%dma_start3A_98 : memref<512xf32, #tpu.memory_space<vmem>>) target_semaphore(%arg24 : memref<!tpu.dma_semaphore, #tpu.memory_space<semaphore_mem>>)
    %dma_start3A_102 = arith.constant 0 : i32
    %dma_start3A_103 = arith.constant 0 : i32
    %dma_start3A_104 = tpu.memref_slice %arg20[%dma_start3A_102, %dma_start3A_103] : memref<10240x32xf32, #tpu.memory_space<vmem_shared>> -> memref<10240x32xf32, #tpu.memory_space<vmem_shared>>
    tpu.enqueue_indirect_dma source(%arg14 : memref<128x32xf32, #tpu.memory_space<vmem>>) target(%dma_start3A_104 : memref<10240x32xf32, #tpu.memory_space<vmem_shared>>) offsets(%arg16 : memref<128xi32, #tpu.memory_space<vmem>>) semaphore(%arg25 : memref<!tpu.dma_semaphore, #tpu.memory_space<semaphore_mem>>) {add = true}
    %dma_start3A_105 = arith.constant 0 : i32
    %dma_start3A_106 = arith.constant 0 : i32
    %dma_start3A_107 = tpu.memref_slice %arg20[%dma_start3A_105, %dma_start3A_106] : memref<10240x32xf32, #tpu.memory_space<vmem_shared>> -> memref<10240x32xf32, #tpu.memory_space<vmem_shared>>
    tpu.enqueue_indirect_dma source(%arg15 : memref<128x32xf32, #tpu.memory_space<vmem>>) target(%dma_start3A_107 : memref<10240x32xf32, #tpu.memory_space<vmem_shared>>) offsets(%arg16 : memref<128xi32, #tpu.memory_space<vmem>>) semaphore(%arg26 : memref<!tpu.dma_semaphore, #tpu.memory_space<semaphore_mem>>) {add = true}
    %scan3A_108 = arith.constant 0 : i32
    %scan3A_109 = arith.constant 0 : i32
    %scan3A_110 = arith.constant 20 : i32
    %scan3A_111 = arith.addi %scan3A_109, %scan3A_110 : i32
    %scan3A_112 = arith.constant 1 : i32
    scf.for %scan3A_164 = %scan3A_109 to %scan3A_111 step %scan3A_112  : i32 {
      %mul3A_165 = arith.constant 2 : i32
      %mul3A_166 = arith.muli %mul3A_165, %scan3A_164 : i32
      %dma_wait3A_167 = arith.constant 0 : i32
      %dma_wait3A_168 = arith.constant 0 : i32
      %dma_wait3A_169 = tpu.memref_slice %arg2[%dma_wait3A_167, %dma_wait3A_168] : memref<10240x80xf32, #tpu.memory_space<hbm>> -> memref<128x80xf32, #tpu.memory_space<hbm>>
      %dma_wait3A_170 = arith.constant 0 : i32
      %dma_wait3A_171 = arith.constant 0 : i32
      %dma_wait3A_172 = tpu.memref_slice %arg2[%dma_wait3A_170, %dma_wait3A_171] : memref<10240x80xf32, #tpu.memory_space<hbm>> -> memref<128x80xf32, #tpu.memory_space<hbm>>
      tpu.wait_dma2 semaphore(%arg21 : memref<!tpu.dma_semaphore, #tpu.memory_space<semaphore_mem>>) src(%dma_wait3A_172 : memref<128x80xf32, #tpu.memory_space<hbm>>) dst(%arg12 : memref<128x80xf32, #tpu.memory_space<vmem>>)
      %dma_wait3A_173 = arith.constant 0 : i32
      %dma_wait3A_174 = arith.constant 0 : i32
      %dma_wait3A_175 = tpu.memref_slice %arg10[%dma_wait3A_174] : memref<528xf32, #tpu.memory_space<vmem>> -> memref<512xf32, #tpu.memory_space<vmem>>
      %dma_wait3A_176 = arith.constant 0 : i32
      %dma_wait3A_177 = tpu.memref_slice %arg5[%add3A, %dma_wait3A_173, %dma_wait3A_176] : memref<32x44x512xf32, #tpu.memory_space<hbm>> -> memref<1x1x512xf32, #tpu.memory_space<hbm>>
      %dma_wait3A_178 = tpu.memref_squeeze %dma_wait3A_177 : memref<1x1x512xf32, #tpu.memory_space<hbm>> -> memref<512xf32, #tpu.memory_space<hbm>>
      %dma_wait3A_179 = arith.constant 0 : i32
      %dma_wait3A_180 = tpu.memref_slice %arg10[%dma_wait3A_179] : memref<528xf32, #tpu.memory_space<vmem>> -> memref<512xf32, #tpu.memory_space<vmem>>
      %dma_wait3A_181 = arith.constant 0 : i32
      %dma_wait3A_182 = tpu.memref_slice %arg5[%add3A, %dma_wait3A_173, %dma_wait3A_181] : memref<32x44x512xf32, #tpu.memory_space<hbm>> -> memref<1x1x512xf32, #tpu.memory_space<hbm>>
      %dma_wait3A_183 = tpu.memref_squeeze %dma_wait3A_182 : memref<1x1x512xf32, #tpu.memory_space<hbm>> -> memref<512xf32, #tpu.memory_space<hbm>>
      tpu.wait_dma2 semaphore(%arg23 : memref<!tpu.dma_semaphore, #tpu.memory_space<semaphore_mem>>) src(%dma_wait3A_183 : memref<512xf32, #tpu.memory_space<hbm>>) dst(%dma_wait3A_180 : memref<512xf32, #tpu.memory_space<vmem>>)
      %dma_wait3A_184 = arith.constant 0 : i32
      %dma_wait3A_185 = arith.constant 0 : i32
      %dma_wait3A_186 = tpu.memref_slice %arg20[%dma_wait3A_184, %dma_wait3A_185] : memref<10240x32xf32, #tpu.memory_space<vmem_shared>> -> memref<10240x32xf32, #tpu.memory_space<vmem_shared>>
      tpu.wait_indirect_dma semaphore(%arg25 : memref<!tpu.dma_semaphore, #tpu.memory_space<semaphore_mem>>) src(%arg14 : memref<128x32xf32, #tpu.memory_space<vmem>>) dst(%dma_wait3A_186 : memref<10240x32xf32, #tpu.memory_space<vmem_shared>>)
      %scan3A_187 = arith.constant 0 : i32
      %scan3A_188 = arith.constant 0 : i32
      %scan3A_189 = arith.constant 128 : i32
      %scan3A_190 = arith.addi %scan3A_188, %scan3A_189 : i32
      %scan3A_191 = arith.constant 1 : i32
      scf.for %scan3A_275 = %scan3A_188 to %scan3A_190 step %scan3A_191  : i32 {
        %mul3A_276 = arith.constant 4 : i32
        %mul3A_277 = arith.muli %scan3A_275, %mul3A_276 : i32
        %get3A = arith.index_cast %mul3A_277 : i32 to index
        %get3A_278 = tpu.vector_load %arg10[%get3A] {strides = array<i32>} : memref<528xf32, #tpu.memory_space<vmem>>, vector<16xf32>,
        %get3A_279 = vector.shape_cast %get3A_278 : vector<16xf32> to vector<16xf32>
        %get3A_280 = arith.index_cast %scan3A_275 : i32 to index
        %get3A_281 = arith.constant 64 : index
        %get3A_282 = tpu.vector_load %arg12[%get3A_280, %get3A_281] {strides = array<i32>} : memref<128x80xf32, #tpu.memory_space<vmem>>, vector<1x16xf32>,
        %get3A_283 = vector.shape_cast %get3A_282 : vector<1x16xf32> to vector<16xf32>
        %slice3A = vector.extract_strided_slice %get3A_279 {offsets = [0], sizes = [1], strides = [1]} : vector<16xf32> to vector<1xf32>
        %squeeze3A = vector.extract %slice3A[0] : f32 from vector<1xf32>
        %get3A_284 = arith.index_cast %scan3A_275 : i32 to index
        %get3A_285 = arith.constant 0 : index
        %get3A_286 = tpu.vector_load %arg12[%get3A_284, %get3A_285] {strides = array<i32>} : memref<128x80xf32, #tpu.memory_space<vmem>>, vector<1x16xf32>,
        %get3A_287 = vector.shape_cast %get3A_286 : vector<1x16xf32> to vector<16xf32>
        %mul3A_288 = vector.broadcast %squeeze3A : f32 to vector<16xf32>
        %mul3A_289 = arith.mulf %mul3A_288, %get3A_287 : vector<16xf32>
        %add3A_290 = arith.addf %get3A_283, %mul3A_289 : vector<16xf32>
        %slice3A_291 = vector.extract_strided_slice %get3A_279 {offsets = [1], sizes = [1], strides = [1]} : vector<16xf32> to vector<1xf32>
        %squeeze3A_292 = vector.extract %slice3A_291[0] : f32 from vector<1xf32>
        %get3A_293 = arith.index_cast %scan3A_275 : i32 to index
        %get3A_294 = arith.constant 16 : index
        %get3A_295 = tpu.vector_load %arg12[%get3A_293, %get3A_294] {strides = array<i32>} : memref<128x80xf32, #tpu.memory_space<vmem>>, vector<1x16xf32>,
        %get3A_296 = vector.shape_cast %get3A_295 : vector<1x16xf32> to vector<16xf32>
        %mul3A_297 = vector.broadcast %squeeze3A_292 : f32 to vector<16xf32>
        %mul3A_298 = arith.mulf %mul3A_297, %get3A_296 : vector<16xf32>
        %add3A_299 = arith.addf %add3A_290, %mul3A_298 : vector<16xf32>
        %slice3A_300 = vector.extract_strided_slice %get3A_279 {offsets = [2], sizes = [1], strides = [1]} : vector<16xf32> to vector<1xf32>
        %squeeze3A_301 = vector.extract %slice3A_300[0] : f32 from vector<1xf32>
        %get3A_302 = arith.index_cast %scan3A_275 : i32 to index
        %get3A_303 = arith.constant 32 : index
        %get3A_304 = tpu.vector_load %arg12[%get3A_302, %get3A_303] {strides = array<i32>} : memref<128x80xf32, #tpu.memory_space<vmem>>, vector<1x16xf32>,
        %get3A_305 = vector.shape_cast %get3A_304 : vector<1x16xf32> to vector<16xf32>
        %mul3A_306 = vector.broadcast %squeeze3A_301 : f32 to vector<16xf32>
        %mul3A_307 = arith.mulf %mul3A_306, %get3A_305 : vector<16xf32>
        %add3A_308 = arith.addf %add3A_299, %mul3A_307 : vector<16xf32>
        %slice3A_309 = vector.extract_strided_slice %get3A_279 {offsets = [3], sizes = [1], strides = [1]} : vector<16xf32> to vector<1xf32>
        %squeeze3A_310 = vector.extract %slice3A_309[0] : f32 from vector<1xf32>
        %get3A_311 = arith.index_cast %scan3A_275 : i32 to index
        %get3A_312 = arith.constant 48 : index
        %get3A_313 = tpu.vector_load %arg12[%get3A_311, %get3A_312] {strides = array<i32>} : memref<128x80xf32, #tpu.memory_space<vmem>>, vector<1x16xf32>,
        %get3A_314 = vector.shape_cast %get3A_313 : vector<1x16xf32> to vector<16xf32>
        %mul3A_315 = vector.broadcast %squeeze3A_310 : f32 to vector<16xf32>
        %mul3A_316 = arith.mulf %mul3A_315, %get3A_314 : vector<16xf32>
        %add3A_317 = arith.addf %add3A_308, %mul3A_316 : vector<16xf32>
        %swap3A_318 = arith.index_cast %scan3A_275 : i32 to index
        %swap3A_319 = arith.constant 0 : index
        %swap3A_320 = tpu.vector_load %arg14[%swap3A_318, %swap3A_319] {strides = array<i32>} : memref<128x32xf32, #tpu.memory_space<vmem>>, vector<1x16xf32>,
        %swap3A_321 = vector.shape_cast %swap3A_320 : vector<1x16xf32> to vector<16xf32>
        %swap3A_322 = vector.shape_cast %add3A_317 : vector<16xf32> to vector<1x16xf32>
        tpu.vector_store %arg14[%swap3A_318, %swap3A_319], %swap3A_322 {strides = array<i32>} : memref<128x32xf32, #tpu.memory_space<vmem>>, vector<1x16xf32>,
      }
      %scan3A_192 = arith.constant 128 : i32
      %dma_start3A_193 = arith.constant 0 : i32
      %dma_start3A_194 = tpu.memref_slice %arg9[%mul3A_166, %dma_start3A_193] : memref<44x128xi32, #tpu.memory_space<vmem>> -> memref<1x128xi32, #tpu.memory_space<vmem>>
      %dma_start3A_195 = tpu.memref_squeeze %dma_start3A_194 : memref<1x128xi32, #tpu.memory_space<vmem>> -> memref<128xi32, #tpu.memory_space<vmem>>
      %dma_start3A_196 = arith.constant 0 : i32
      %dma_start3A_197 = arith.constant 0 : i32
      %dma_start3A_198 = tpu.memref_slice %arg20[%dma_start3A_196, %dma_start3A_197] : memref<10240x32xf32, #tpu.memory_space<vmem_shared>> -> memref<10240x32xf32, #tpu.memory_space<vmem_shared>>
      tpu.enqueue_indirect_dma source(%arg14 : memref<128x32xf32, #tpu.memory_space<vmem>>) target(%dma_start3A_198 : memref<10240x32xf32, #tpu.memory_space<vmem_shared>>) offsets(%dma_start3A_195 : memref<128xi32, #tpu.memory_space<vmem>>) semaphore(%arg25 : memref<!tpu.dma_semaphore, #tpu.memory_space<semaphore_mem>>) {add = true}
      %add3A_199 = arith.constant 2 : i32
      %add3A_200 = arith.addi %mul3A_166, %add3A_199 : i32
      %dma_start3A_201 = arith.constant 0 : i32
      %dma_start3A_202 = tpu.memref_slice %arg8[%add3A_200, %dma_start3A_201] : memref<44x128xi32, #tpu.memory_space<vmem>> -> memref<1x128xi32, #tpu.memory_space<vmem>>
      %dma_start3A_203 = tpu.memref_squeeze %dma_start3A_202 : memref<1x128xi32, #tpu.memory_space<vmem>> -> memref<128xi32, #tpu.memory_space<vmem>>
      %dma_start3A_204 = arith.constant 0 : i32
      %dma_start3A_205 = arith.constant 0 : i32
      %dma_start3A_206 = tpu.memref_slice %arg19[%dma_start3A_204, %dma_start3A_205] : memref<10240x80xf32, #tpu.memory_space<vmem_shared>> -> memref<10240x80xf32, #tpu.memory_space<vmem_shared>>
      tpu.enqueue_indirect_dma source(%dma_start3A_206 : memref<10240x80xf32, #tpu.memory_space<vmem_shared>>) target(%arg12 : memref<128x80xf32, #tpu.memory_space<vmem>>) offsets(%dma_start3A_203 : memref<128xi32, #tpu.memory_space<vmem>>) semaphore(%arg21 : memref<!tpu.dma_semaphore, #tpu.memory_space<semaphore_mem>>)
      %add3A_207 = arith.constant 2 : i32
      %add3A_208 = arith.addi %mul3A_166, %add3A_207 : i32
      %dma_start3A_209 = arith.constant 0 : i32
      %dma_start3A_210 = tpu.memref_slice %arg10[%dma_start3A_209] : memref<528xf32, #tpu.memory_space<vmem>> -> memref<512xf32, #tpu.memory_space<vmem>>
      %dma_start3A_211 = arith.constant 0 : i32
      %dma_start3A_212 = tpu.memref_slice %arg5[%add3A, %add3A_208, %dma_start3A_211] : memref<32x44x512xf32, #tpu.memory_space<hbm>> -> memref<1x1x512xf32, #tpu.memory_space<hbm>>
      %dma_start3A_213 = tpu.memref_squeeze %dma_start3A_212 : memref<1x1x512xf32, #tpu.memory_space<hbm>> -> memref<512xf32, #tpu.memory_space<hbm>>
      %dma_start3A_214 = arith.constant 0 : i32
      %dma_start3A_215 = tpu.memref_slice %arg10[%dma_start3A_214] : memref<528xf32, #tpu.memory_space<vmem>> -> memref<512xf32, #tpu.memory_space<vmem>>
      %dma_start3A_216 = arith.constant 0 : i32
      %dma_start3A_217 = tpu.memref_slice %arg5[%add3A, %add3A_208, %dma_start3A_216] : memref<32x44x512xf32, #tpu.memory_space<hbm>> -> memref<1x1x512xf32, #tpu.memory_space<hbm>>
      %dma_start3A_218 = tpu.memref_squeeze %dma_start3A_217 : memref<1x1x512xf32, #tpu.memory_space<hbm>> -> memref<512xf32, #tpu.memory_space<hbm>>
      tpu.enqueue_dma source(%dma_start3A_218 : memref<512xf32, #tpu.memory_space<hbm>>) target(%dma_start3A_215 : memref<512xf32, #tpu.memory_space<vmem>>) target_semaphore(%arg23 : memref<!tpu.dma_semaphore, #tpu.memory_space<semaphore_mem>>)
      %mul3A_219 = arith.constant 2 : i32
      %mul3A_220 = arith.muli %mul3A_219, %scan3A_164 : i32
      %add3A_221 = arith.constant 1 : i32
      %add3A_222 = arith.addi %mul3A_220, %add3A_221 : i32
      %dma_wait3A_223 = arith.constant 0 : i32
      %dma_wait3A_224 = arith.constant 0 : i32
      %dma_wait3A_225 = tpu.memref_slice %arg2[%dma_wait3A_223, %dma_wait3A_224] : memref<10240x80xf32, #tpu.memory_space<hbm>> -> memref<128x80xf32, #tpu.memory_space<hbm>>
      %dma_wait3A_226 = arith.constant 0 : i32
      %dma_wait3A_227 = arith.constant 0 : i32
      %dma_wait3A_228 = tpu.memref_slice %arg2[%dma_wait3A_226, %dma_wait3A_227] : memref<10240x80xf32, #tpu.memory_space<hbm>> -> memref<128x80xf32, #tpu.memory_space<hbm>>
      tpu.wait_dma2 semaphore(%arg22 : memref<!tpu.dma_semaphore, #tpu.memory_space<semaphore_mem>>) src(%dma_wait3A_228 : memref<128x80xf32, #tpu.memory_space<hbm>>) dst(%arg13 : memref<128x80xf32, #tpu.memory_space<vmem>>)
      %dma_wait3A_229 = arith.constant 0 : i32
      %dma_wait3A_230 = arith.constant 0 : i32
      %dma_wait3A_231 = tpu.memref_slice %arg11[%dma_wait3A_230] : memref<528xf32, #tpu.memory_space<vmem>> -> memref<512xf32, #tpu.memory_space<vmem>>
      %dma_wait3A_232 = arith.constant 0 : i32
      %dma_wait3A_233 = tpu.memref_slice %arg5[%add3A, %dma_wait3A_229, %dma_wait3A_232] : memref<32x44x512xf32, #tpu.memory_space<hbm>> -> memref<1x1x512xf32, #tpu.memory_space<hbm>>
      %dma_wait3A_234 = tpu.memref_squeeze %dma_wait3A_233 : memref<1x1x512xf32, #tpu.memory_space<hbm>> -> memref<512xf32, #tpu.memory_space<hbm>>
      %dma_wait3A_235 = arith.constant 0 : i32
      %dma_wait3A_236 = tpu.memref_slice %arg11[%dma_wait3A_235] : memref<528xf32, #tpu.memory_space<vmem>> -> memref<512xf32, #tpu.memory_space<vmem>>
      %dma_wait3A_237 = arith.constant 0 : i32
      %dma_wait3A_238 = tpu.memref_slice %arg5[%add3A, %dma_wait3A_229, %dma_wait3A_237] : memref<32x44x512xf32, #tpu.memory_space<hbm>> -> memref<1x1x512xf32, #tpu.memory_space<hbm>>
      %dma_wait3A_239 = tpu.memref_squeeze %dma_wait3A_238 : memref<1x1x512xf32, #tpu.memory_space<hbm>> -> memref<512xf32, #tpu.memory_space<hbm>>
      tpu.wait_dma2 semaphore(%arg24 : memref<!tpu.dma_semaphore, #tpu.memory_space<semaphore_mem>>) src(%dma_wait3A_239 : memref<512xf32, #tpu.memory_space<hbm>>) dst(%dma_wait3A_236 : memref<512xf32, #tpu.memory_space<vmem>>)
      %dma_wait3A_240 = arith.constant 0 : i32
      %dma_wait3A_241 = arith.constant 0 : i32
      %dma_wait3A_242 = tpu.memref_slice %arg20[%dma_wait3A_240, %dma_wait3A_241] : memref<10240x32xf32, #tpu.memory_space<vmem_shared>> -> memref<10240x32xf32, #tpu.memory_space<vmem_shared>>
      tpu.wait_indirect_dma semaphore(%arg26 : memref<!tpu.dma_semaphore, #tpu.memory_space<semaphore_mem>>) src(%arg15 : memref<128x32xf32, #tpu.memory_space<vmem>>) dst(%dma_wait3A_242 : memref<10240x32xf32, #tpu.memory_space<vmem_shared>>)
      %scan3A_243 = arith.constant 0 : i32
      %scan3A_244 = arith.constant 0 : i32
      %scan3A_245 = arith.constant 128 : i32
      %scan3A_246 = arith.addi %scan3A_244, %scan3A_245 : i32
      %scan3A_247 = arith.constant 1 : i32
      scf.for %scan3A_275 = %scan3A_244 to %scan3A_246 step %scan3A_247  : i32 {
        %mul3A_276 = arith.constant 4 : i32
        %mul3A_277 = arith.muli %scan3A_275, %mul3A_276 : i32
        %get3A = arith.index_cast %mul3A_277 : i32 to index
        %get3A_278 = tpu.vector_load %arg11[%get3A] {strides = array<i32>} : memref<528xf32, #tpu.memory_space<vmem>>, vector<16xf32>,
        %get3A_279 = vector.shape_cast %get3A_278 : vector<16xf32> to vector<16xf32>
        %get3A_280 = arith.index_cast %scan3A_275 : i32 to index
        %get3A_281 = arith.constant 64 : index
        %get3A_282 = tpu.vector_load %arg13[%get3A_280, %get3A_281] {strides = array<i32>} : memref<128x80xf32, #tpu.memory_space<vmem>>, vector<1x16xf32>,
        %get3A_283 = vector.shape_cast %get3A_282 : vector<1x16xf32> to vector<16xf32>
        %slice3A = vector.extract_strided_slice %get3A_279 {offsets = [0], sizes = [1], strides = [1]} : vector<16xf32> to vector<1xf32>
        %squeeze3A = vector.extract %slice3A[0] : f32 from vector<1xf32>
        %get3A_284 = arith.index_cast %scan3A_275 : i32 to index
        %get3A_285 = arith.constant 0 : index
        %get3A_286 = tpu.vector_load %arg13[%get3A_284, %get3A_285] {strides = array<i32>} : memref<128x80xf32, #tpu.memory_space<vmem>>, vector<1x16xf32>,
        %get3A_287 = vector.shape_cast %get3A_286 : vector<1x16xf32> to vector<16xf32>
        %mul3A_288 = vector.broadcast %squeeze3A : f32 to vector<16xf32>
        %mul3A_289 = arith.mulf %mul3A_288, %get3A_287 : vector<16xf32>
        %add3A_290 = arith.addf %get3A_283, %mul3A_289 : vector<16xf32>
        %slice3A_291 = vector.extract_strided_slice %get3A_279 {offsets = [1], sizes = [1], strides = [1]} : vector<16xf32> to vector<1xf32>
        %squeeze3A_292 = vector.extract %slice3A_291[0] : f32 from vector<1xf32>
        %get3A_293 = arith.index_cast %scan3A_275 : i32 to index
        %get3A_294 = arith.constant 16 : index
        %get3A_295 = tpu.vector_load %arg13[%get3A_293, %get3A_294] {strides = array<i32>} : memref<128x80xf32, #tpu.memory_space<vmem>>, vector<1x16xf32>,
        %get3A_296 = vector.shape_cast %get3A_295 : vector<1x16xf32> to vector<16xf32>
        %mul3A_297 = vector.broadcast %squeeze3A_292 : f32 to vector<16xf32>
        %mul3A_298 = arith.mulf %mul3A_297, %get3A_296 : vector<16xf32>
        %add3A_299 = arith.addf %add3A_290, %mul3A_298 : vector<16xf32>
        %slice3A_300 = vector.extract_strided_slice %get3A_279 {offsets = [2], sizes = [1], strides = [1]} : vector<16xf32> to vector<1xf32>
        %squeeze3A_301 = vector.extract %slice3A_300[0] : f32 from vector<1xf32>
        %get3A_302 = arith.index_cast %scan3A_275 : i32 to index
        %get3A_303 = arith.constant 32 : index
        %get3A_304 = tpu.vector_load %arg13[%get3A_302, %get3A_303] {strides = array<i32>} : memref<128x80xf32, #tpu.memory_space<vmem>>, vector<1x16xf32>,
        %get3A_305 = vector.shape_cast %get3A_304 : vector<1x16xf32> to vector<16xf32>
        %mul3A_306 = vector.broadcast %squeeze3A_301 : f32 to vector<16xf32>
        %mul3A_307 = arith.mulf %mul3A_306, %get3A_305 : vector<16xf32>
        %add3A_308 = arith.addf %add3A_299, %mul3A_307 : vector<16xf32>
        %slice3A_309 = vector.extract_strided_slice %get3A_279 {offsets = [3], sizes = [1], strides = [1]} : vector<16xf32> to vector<1xf32>
        %squeeze3A_310 = vector.extract %slice3A_309[0] : f32 from vector<1xf32>
        %get3A_311 = arith.index_cast %scan3A_275 : i32 to index
        %get3A_312 = arith.constant 48 : index
        %get3A_313 = tpu.vector_load %arg13[%get3A_311, %get3A_312] {strides = array<i32>} : memref<128x80xf32, #tpu.memory_space<vmem>>, vector<1x16xf32>,
        %get3A_314 = vector.shape_cast %get3A_313 : vector<1x16xf32> to vector<16xf32>
        %mul3A_315 = vector.broadcast %squeeze3A_310 : f32 to vector<16xf32>
        %mul3A_316 = arith.mulf %mul3A_315, %get3A_314 : vector<16xf32>
        %add3A_317 = arith.addf %add3A_308, %mul3A_316 : vector<16xf32>
        %swap3A_318 = arith.index_cast %scan3A_275 : i32 to index
        %swap3A_319 = arith.constant 0 : index
        %swap3A_320 = tpu.vector_load %arg15[%swap3A_318, %swap3A_319] {strides = array<i32>} : memref<128x32xf32, #tpu.memory_space<vmem>>, vector<1x16xf32>,
        %swap3A_321 = vector.shape_cast %swap3A_320 : vector<1x16xf32> to vector<16xf32>
        %swap3A_322 = vector.shape_cast %add3A_317 : vector<16xf32> to vector<1x16xf32>
        tpu.vector_store %arg15[%swap3A_318, %swap3A_319], %swap3A_322 {strides = array<i32>} : memref<128x32xf32, #tpu.memory_space<vmem>>, vector<1x16xf32>,
      }
      %scan3A_248 = arith.constant 128 : i32
      %dma_start3A_249 = arith.constant 0 : i32
      %dma_start3A_250 = tpu.memref_slice %arg9[%add3A_222, %dma_start3A_249] : memref<44x128xi32, #tpu.memory_space<vmem>> -> memref<1x128xi32, #tpu.memory_space<vmem>>
      %dma_start3A_251 = tpu.memref_squeeze %dma_start3A_250 : memref<1x128xi32, #tpu.memory_space<vmem>> -> memref<128xi32, #tpu.memory_space<vmem>>
      %dma_start3A_252 = arith.constant 0 : i32
      %dma_start3A_253 = arith.constant 0 : i32
      %dma_start3A_254 = tpu.memref_slice %arg20[%dma_start3A_252, %dma_start3A_253] : memref<10240x32xf32, #tpu.memory_space<vmem_shared>> -> memref<10240x32xf32, #tpu.memory_space<vmem_shared>>
      tpu.enqueue_indirect_dma source(%arg15 : memref<128x32xf32, #tpu.memory_space<vmem>>) target(%dma_start3A_254 : memref<10240x32xf32, #tpu.memory_space<vmem_shared>>) offsets(%dma_start3A_251 : memref<128xi32, #tpu.memory_space<vmem>>) semaphore(%arg26 : memref<!tpu.dma_semaphore, #tpu.memory_space<semaphore_mem>>) {add = true}
      %add3A_255 = arith.constant 2 : i32
      %add3A_256 = arith.addi %add3A_222, %add3A_255 : i32
      %dma_start3A_257 = arith.constant 0 : i32
      %dma_start3A_258 = tpu.memref_slice %arg8[%add3A_256, %dma_start3A_257] : memref<44x128xi32, #tpu.memory_space<vmem>> -> memref<1x128xi32, #tpu.memory_space<vmem>>
      %dma_start3A_259 = tpu.memref_squeeze %dma_start3A_258 : memref<1x128xi32, #tpu.memory_space<vmem>> -> memref<128xi32, #tpu.memory_space<vmem>>
      %dma_start3A_260 = arith.constant 0 : i32
      %dma_start3A_261 = arith.constant 0 : i32
      %dma_start3A_262 = tpu.memref_slice %arg19[%dma_start3A_260, %dma_start3A_261] : memref<10240x80xf32, #tpu.memory_space<vmem_shared>> -> memref<10240x80xf32, #tpu.memory_space<vmem_shared>>
      tpu.enqueue_indirect_dma source(%dma_start3A_262 : memref<10240x80xf32, #tpu.memory_space<vmem_shared>>) target(%arg13 : memref<128x80xf32, #tpu.memory_space<vmem>>) offsets(%dma_start3A_259 : memref<128xi32, #tpu.memory_space<vmem>>) semaphore(%arg22 : memref<!tpu.dma_semaphore, #tpu.memory_space<semaphore_mem>>)
      %add3A_263 = arith.constant 2 : i32
      %add3A_264 = arith.addi %add3A_222, %add3A_263 : i32
      %dma_start3A_265 = arith.constant 0 : i32
      %dma_start3A_266 = tpu.memref_slice %arg11[%dma_start3A_265] : memref<528xf32, #tpu.memory_space<vmem>> -> memref<512xf32, #tpu.memory_space<vmem>>
      %dma_start3A_267 = arith.constant 0 : i32
      %dma_start3A_268 = tpu.memref_slice %arg5[%add3A, %add3A_264, %dma_start3A_267] : memref<32x44x512xf32, #tpu.memory_space<hbm>> -> memref<1x1x512xf32, #tpu.memory_space<hbm>>
      %dma_start3A_269 = tpu.memref_squeeze %dma_start3A_268 : memref<1x1x512xf32, #tpu.memory_space<hbm>> -> memref<512xf32, #tpu.memory_space<hbm>>
      %dma_start3A_270 = arith.constant 0 : i32
      %dma_start3A_271 = tpu.memref_slice %arg11[%dma_start3A_270] : memref<528xf32, #tpu.memory_space<vmem>> -> memref<512xf32, #tpu.memory_space<vmem>>
      %dma_start3A_272 = arith.constant 0 : i32
      %dma_start3A_273 = tpu.memref_slice %arg5[%add3A, %add3A_264, %dma_start3A_272] : memref<32x44x512xf32, #tpu.memory_space<hbm>> -> memref<1x1x512xf32, #tpu.memory_space<hbm>>
      %dma_start3A_274 = tpu.memref_squeeze %dma_start3A_273 : memref<1x1x512xf32, #tpu.memory_space<hbm>> -> memref<512xf32, #tpu.memory_space<hbm>>
      tpu.enqueue_dma source(%dma_start3A_274 : memref<512xf32, #tpu.memory_space<hbm>>) target(%dma_start3A_271 : memref<512xf32, #tpu.memory_space<vmem>>) target_semaphore(%arg24 : memref<!tpu.dma_semaphore, #tpu.memory_space<semaphore_mem>>)
    }
    %scan3A_113 = arith.constant 20 : i32
    %dma_wait3A = arith.constant 0 : i32
    %dma_wait3A_114 = arith.constant 0 : i32
    %dma_wait3A_115 = tpu.memref_slice %arg2[%dma_wait3A, %dma_wait3A_114] : memref<10240x80xf32, #tpu.memory_space<hbm>> -> memref<128x80xf32, #tpu.memory_space<hbm>>
    %dma_wait3A_116 = arith.constant 0 : i32
    %dma_wait3A_117 = arith.constant 0 : i32
    %dma_wait3A_118 = tpu.memref_slice %arg2[%dma_wait3A_116, %dma_wait3A_117] : memref<10240x80xf32, #tpu.memory_space<hbm>> -> memref<128x80xf32, #tpu.memory_space<hbm>>
    tpu.wait_dma2 semaphore(%arg21 : memref<!tpu.dma_semaphore, #tpu.memory_space<semaphore_mem>>) src(%dma_wait3A_118 : memref<128x80xf32, #tpu.memory_space<hbm>>) dst(%arg12 : memref<128x80xf32, #tpu.memory_space<vmem>>)
    %dma_wait3A_119 = arith.constant 0 : i32
    %dma_wait3A_120 = arith.constant 0 : i32
    %dma_wait3A_121 = tpu.memref_slice %arg10[%dma_wait3A_120] : memref<528xf32, #tpu.memory_space<vmem>> -> memref<512xf32, #tpu.memory_space<vmem>>
    %dma_wait3A_122 = arith.constant 0 : i32
    %dma_wait3A_123 = tpu.memref_slice %arg5[%add3A, %dma_wait3A_119, %dma_wait3A_122] : memref<32x44x512xf32, #tpu.memory_space<hbm>> -> memref<1x1x512xf32, #tpu.memory_space<hbm>>
    %dma_wait3A_124 = tpu.memref_squeeze %dma_wait3A_123 : memref<1x1x512xf32, #tpu.memory_space<hbm>> -> memref<512xf32, #tpu.memory_space<hbm>>
    %dma_wait3A_125 = arith.constant 0 : i32
    %dma_wait3A_126 = tpu.memref_slice %arg10[%dma_wait3A_125] : memref<528xf32, #tpu.memory_space<vmem>> -> memref<512xf32, #tpu.memory_space<vmem>>
    %dma_wait3A_127 = arith.constant 0 : i32
    %dma_wait3A_128 = tpu.memref_slice %arg5[%add3A, %dma_wait3A_119, %dma_wait3A_127] : memref<32x44x512xf32, #tpu.memory_space<hbm>> -> memref<1x1x512xf32, #tpu.memory_space<hbm>>
    %dma_wait3A_129 = tpu.memref_squeeze %dma_wait3A_128 : memref<1x1x512xf32, #tpu.memory_space<hbm>> -> memref<512xf32, #tpu.memory_space<hbm>>
    tpu.wait_dma2 semaphore(%arg23 : memref<!tpu.dma_semaphore, #tpu.memory_space<semaphore_mem>>) src(%dma_wait3A_129 : memref<512xf32, #tpu.memory_space<hbm>>) dst(%dma_wait3A_126 : memref<512xf32, #tpu.memory_space<vmem>>)
    %dma_wait3A_130 = arith.constant 0 : i32
    %dma_wait3A_131 = arith.constant 0 : i32
    %dma_wait3A_132 = tpu.memref_slice %arg20[%dma_wait3A_130, %dma_wait3A_131] : memref<10240x32xf32, #tpu.memory_space<vmem_shared>> -> memref<10240x32xf32, #tpu.memory_space<vmem_shared>>
    tpu.wait_indirect_dma semaphore(%arg25 : memref<!tpu.dma_semaphore, #tpu.memory_space<semaphore_mem>>) src(%arg14 : memref<128x32xf32, #tpu.memory_space<vmem>>) dst(%dma_wait3A_132 : memref<10240x32xf32, #tpu.memory_space<vmem_shared>>)
    %dma_wait3A_133 = arith.constant 0 : i32
    %dma_wait3A_134 = arith.constant 0 : i32
    %dma_wait3A_135 = tpu.memref_slice %arg2[%dma_wait3A_133, %dma_wait3A_134] : memref<10240x80xf32, #tpu.memory_space<hbm>> -> memref<128x80xf32, #tpu.memory_space<hbm>>
    %dma_wait3A_136 = arith.constant 0 : i32
    %dma_wait3A_137 = arith.constant 0 : i32
    %dma_wait3A_138 = tpu.memref_slice %arg2[%dma_wait3A_136, %dma_wait3A_137] : memref<10240x80xf32, #tpu.memory_space<hbm>> -> memref<128x80xf32, #tpu.memory_space<hbm>>
    tpu.wait_dma2 semaphore(%arg22 : memref<!tpu.dma_semaphore, #tpu.memory_space<semaphore_mem>>) src(%dma_wait3A_138 : memref<128x80xf32, #tpu.memory_space<hbm>>) dst(%arg13 : memref<128x80xf32, #tpu.memory_space<vmem>>)
    %dma_wait3A_139 = arith.constant 0 : i32
    %dma_wait3A_140 = arith.constant 0 : i32
    %dma_wait3A_141 = tpu.memref_slice %arg11[%dma_wait3A_140] : memref<528xf32, #tpu.memory_space<vmem>> -> memref<512xf32, #tpu.memory_space<vmem>>
    %dma_wait3A_142 = arith.constant 0 : i32
    %dma_wait3A_143 = tpu.memref_slice %arg5[%add3A, %dma_wait3A_139, %dma_wait3A_142] : memref<32x44x512xf32, #tpu.memory_space<hbm>> -> memref<1x1x512xf32, #tpu.memory_space<hbm>>
    %dma_wait3A_144 = tpu.memref_squeeze %dma_wait3A_143 : memref<1x1x512xf32, #tpu.memory_space<hbm>> -> memref<512xf32, #tpu.memory_space<hbm>>
    %dma_wait3A_145 = arith.constant 0 : i32
    %dma_wait3A_146 = tpu.memref_slice %arg11[%dma_wait3A_145] : memref<528xf32, #tpu.memory_space<vmem>> -> memref<512xf32, #tpu.memory_space<vmem>>
    %dma_wait3A_147 = arith.constant 0 : i32
    %dma_wait3A_148 = tpu.memref_slice %arg5[%add3A, %dma_wait3A_139, %dma_wait3A_147] : memref<32x44x512xf32, #tpu.memory_space<hbm>> -> memref<1x1x512xf32, #tpu.memory_space<hbm>>
    %dma_wait3A_149 = tpu.memref_squeeze %dma_wait3A_148 : memref<1x1x512xf32, #tpu.memory_space<hbm>> -> memref<512xf32, #tpu.memory_space<hbm>>
    tpu.wait_dma2 semaphore(%arg24 : memref<!tpu.dma_semaphore, #tpu.memory_space<semaphore_mem>>) src(%dma_wait3A_149 : memref<512xf32, #tpu.memory_space<hbm>>) dst(%dma_wait3A_146 : memref<512xf32, #tpu.memory_space<vmem>>)
    %dma_wait3A_150 = arith.constant 0 : i32
    %dma_wait3A_151 = arith.constant 0 : i32
    %dma_wait3A_152 = tpu.memref_slice %arg20[%dma_wait3A_150, %dma_wait3A_151] : memref<10240x32xf32, #tpu.memory_space<vmem_shared>> -> memref<10240x32xf32, #tpu.memory_space<vmem_shared>>
    tpu.wait_indirect_dma semaphore(%arg26 : memref<!tpu.dma_semaphore, #tpu.memory_space<semaphore_mem>>) src(%arg15 : memref<128x32xf32, #tpu.memory_space<vmem>>) dst(%dma_wait3A_152 : memref<10240x32xf32, #tpu.memory_space<vmem_shared>>)
    %barrier3A_153 = arith.constant 0 : index
    tpu.barrier barrier_id(%barrier3A_153)
    %add3A_154 = arith.constant 0 : i32
    %add3A_155 = arith.addi %mul3A_2, %add3A_154 : i32
    "tpu.region"() ({
      %run_scoped3A = tpu.sem_alloc : memref<!tpu.dma_semaphore, #tpu.memory_space<semaphore_mem>>
      %dma_start3A_164 = arith.constant 0 : i32
      %dma_start3A_165 = tpu.memref_slice %arg20[%add3A_155, %dma_start3A_164] : memref<10240x32xf32, #tpu.memory_space<vmem_shared>> -> memref<128x32xf32, #tpu.memory_space<vmem_shared>>
      %dma_start3A_166 = arith.constant 0 : i32
      %dma_start3A_167 = tpu.memref_slice %arg20[%add3A_155, %dma_start3A_166] : memref<10240x32xf32, #tpu.memory_space<vmem_shared>> -> memref<128x32xf32, #tpu.memory_space<vmem_shared>>
      tpu.enqueue_dma source(%dma_start3A_167 : memref<128x32xf32, #tpu.memory_space<vmem_shared>>) target(%arg18 : memref<128x32xf32, #tpu.memory_space<vmem>>) target_semaphore(%run_scoped3A : memref<!tpu.dma_semaphore, #tpu.memory_space<semaphore_mem>>)
      %dma_wait3A_168 = arith.constant 0 : i32
      %dma_wait3A_169 = tpu.memref_slice %arg20[%add3A_155, %dma_wait3A_168] : memref<10240x32xf32, #tpu.memory_space<vmem_shared>> -> memref<128x32xf32, #tpu.memory_space<vmem_shared>>
      %dma_wait3A_170 = arith.constant 0 : i32
      %dma_wait3A_171 = tpu.memref_slice %arg20[%add3A_155, %dma_wait3A_170] : memref<10240x32xf32, #tpu.memory_space<vmem_shared>> -> memref<128x32xf32, #tpu.memory_space<vmem_shared>>
      tpu.wait_dma2 semaphore(%run_scoped3A : memref<!tpu.dma_semaphore, #tpu.memory_space<semaphore_mem>>) src(%dma_wait3A_171 : memref<128x32xf32, #tpu.memory_space<vmem_shared>>) dst(%arg18 : memref<128x32xf32, #tpu.memory_space<vmem>>)
      tpu.yield
    }) : () -> ()
    "tpu.region"() ({
      %run_scoped3A = tpu.sem_alloc : memref<!tpu.dma_semaphore, #tpu.memory_space<semaphore_mem>>
      %dma_start3A_164 = arith.constant 0 : i32
      %dma_start3A_165 = tpu.memref_slice %arg7[%arg0, %add3A_155, %dma_start3A_164] : memref<2x10240x32xf32, #tpu.memory_space<hbm>> -> memref<1x128x32xf32, #tpu.memory_space<hbm>>
      %dma_start3A_166 = tpu.memref_squeeze %dma_start3A_165 : memref<1x128x32xf32, #tpu.memory_space<hbm>> -> memref<128x32xf32, #tpu.memory_space<hbm>>
      %dma_start3A_167 = arith.constant 0 : i32
      %dma_start3A_168 = tpu.memref_slice %arg7[%arg0, %add3A_155, %dma_start3A_167] : memref<2x10240x32xf32, #tpu.memory_space<hbm>> -> memref<1x128x32xf32, #tpu.memory_space<hbm>>
      %dma_start3A_169 = tpu.memref_squeeze %dma_start3A_168 : memref<1x128x32xf32, #tpu.memory_space<hbm>> -> memref<128x32xf32, #tpu.memory_space<hbm>>
      tpu.enqueue_dma source(%arg18 : memref<128x32xf32, #tpu.memory_space<vmem>>) target(%dma_start3A_169 : memref<128x32xf32, #tpu.memory_space<hbm>>) target_semaphore(%run_scoped3A : memref<!tpu.dma_semaphore, #tpu.memory_space<semaphore_mem>>)
      %dma_wait3A_170 = arith.constant 0 : i32
      %dma_wait3A_171 = tpu.memref_slice %arg7[%arg0, %add3A_155, %dma_wait3A_170] : memref<2x10240x32xf32, #tpu.memory_space<hbm>> -> memref<1x128x32xf32, #tpu.memory_space<hbm>>
      %dma_wait3A_172 = tpu.memref_squeeze %dma_wait3A_171 : memref<1x128x32xf32, #tpu.memory_space<hbm>> -> memref<128x32xf32, #tpu.memory_space<hbm>>
      %dma_wait3A_173 = arith.constant 0 : i32
      %dma_wait3A_174 = tpu.memref_slice %arg7[%arg0, %add3A_155, %dma_wait3A_173] : memref<2x10240x32xf32, #tpu.memory_space<hbm>> -> memref<1x128x32xf32, #tpu.memory_space<hbm>>
      %dma_wait3A_175 = tpu.memref_squeeze %dma_wait3A_174 : memref<1x128x32xf32, #tpu.memory_space<hbm>> -> memref<128x32xf32, #tpu.memory_space<hbm>>
      tpu.wait_dma2 semaphore(%run_scoped3A : memref<!tpu.dma_semaphore, #tpu.memory_space<semaphore_mem>>) src(%arg18 : memref<128x32xf32, #tpu.memory_space<vmem>>) dst(%dma_wait3A_175 : memref<128x32xf32, #tpu.memory_space<hbm>>)
      tpu.yield
    }) : () -> ()
    %add3A_156 = arith.constant 128 : i32
    %add3A_157 = arith.addi %mul3A_2, %add3A_156 : i32
    "tpu.region"() ({
      %run_scoped3A = tpu.sem_alloc : memref<!tpu.dma_semaphore, #tpu.memory_space<semaphore_mem>>
      %dma_start3A_164 = arith.constant 0 : i32
      %dma_start3A_165 = tpu.memref_slice %arg20[%add3A_157, %dma_start3A_164] : memref<10240x32xf32, #tpu.memory_space<vmem_shared>> -> memref<128x32xf32, #tpu.memory_space<vmem_shared>>
      %dma_start3A_166 = arith.constant 0 : i32
      %dma_start3A_167 = tpu.memref_slice %arg20[%add3A_157, %dma_start3A_166] : memref<10240x32xf32, #tpu.memory_space<vmem_shared>> -> memref<128x32xf32, #tpu.memory_space<vmem_shared>>
      tpu.enqueue_dma source(%dma_start3A_167 : memref<128x32xf32, #tpu.memory_space<vmem_shared>>) target(%arg18 : memref<128x32xf32, #tpu.memory_space<vmem>>) target_semaphore(%run_scoped3A : memref<!tpu.dma_semaphore, #tpu.memory_space<semaphore_mem>>)
      %dma_wait3A_168 = arith.constant 0 : i32
      %dma_wait3A_169 = tpu.memref_slice %arg20[%add3A_157, %dma_wait3A_168] : memref<10240x32xf32, #tpu.memory_space<vmem_shared>> -> memref<128x32xf32, #tpu.memory_space<vmem_shared>>
      %dma_wait3A_170 = arith.constant 0 : i32
      %dma_wait3A_171 = tpu.memref_slice %arg20[%add3A_157, %dma_wait3A_170] : memref<10240x32xf32, #tpu.memory_space<vmem_shared>> -> memref<128x32xf32, #tpu.memory_space<vmem_shared>>
      tpu.wait_dma2 semaphore(%run_scoped3A : memref<!tpu.dma_semaphore, #tpu.memory_space<semaphore_mem>>) src(%dma_wait3A_171 : memref<128x32xf32, #tpu.memory_space<vmem_shared>>) dst(%arg18 : memref<128x32xf32, #tpu.memory_space<vmem>>)
      tpu.yield
    }) : () -> ()
    "tpu.region"() ({
      %run_scoped3A = tpu.sem_alloc : memref<!tpu.dma_semaphore, #tpu.memory_space<semaphore_mem>>
      %dma_start3A_164 = arith.constant 0 : i32
      %dma_start3A_165 = tpu.memref_slice %arg7[%arg0, %add3A_157, %dma_start3A_164] : memref<2x10240x32xf32, #tpu.memory_space<hbm>> -> memref<1x128x32xf32, #tpu.memory_space<hbm>>
      %dma_start3A_166 = tpu.memref_squeeze %dma_start3A_165 : memref<1x128x32xf32, #tpu.memory_space<hbm>> -> memref<128x32xf32, #tpu.memory_space<hbm>>
      %dma_start3A_167 = arith.constant 0 : i32
      %dma_start3A_168 = tpu.memref_slice %arg7[%arg0, %add3A_157, %dma_start3A_167] : memref<2x10240x32xf32, #tpu.memory_space<hbm>> -> memref<1x128x32xf32, #tpu.memory_space<hbm>>
      %dma_start3A_169 = tpu.memref_squeeze %dma_start3A_168 : memref<1x128x32xf32, #tpu.memory_space<hbm>> -> memref<128x32xf32, #tpu.memory_space<hbm>>
      tpu.enqueue_dma source(%arg18 : memref<128x32xf32, #tpu.memory_space<vmem>>) target(%dma_start3A_169 : memref<128x32xf32, #tpu.memory_space<hbm>>) target_semaphore(%run_scoped3A : memref<!tpu.dma_semaphore, #tpu.memory_space<semaphore_mem>>)
      %dma_wait3A_170 = arith.constant 0 : i32
      %dma_wait3A_171 = tpu.memref_slice %arg7[%arg0, %add3A_157, %dma_wait3A_170] : memref<2x10240x32xf32, #tpu.memory_space<hbm>> -> memref<1x128x32xf32, #tpu.memory_space<hbm>>
      %dma_wait3A_172 = tpu.memref_squeeze %dma_wait3A_171 : memref<1x128x32xf32, #tpu.memory_space<hbm>> -> memref<128x32xf32, #tpu.memory_space<hbm>>
      %dma_wait3A_173 = arith.constant 0 : i32
      %dma_wait3A_174 = tpu.memref_slice %arg7[%arg0, %add3A_157, %dma_wait3A_173] : memref<2x10240x32xf32, #tpu.memory_space<hbm>> -> memref<1x128x32xf32, #tpu.memory_space<hbm>>
      %dma_wait3A_175 = tpu.memref_squeeze %dma_wait3A_174 : memref<1x128x32xf32, #tpu.memory_space<hbm>> -> memref<128x32xf32, #tpu.memory_space<hbm>>
      tpu.wait_dma2 semaphore(%run_scoped3A : memref<!tpu.dma_semaphore, #tpu.memory_space<semaphore_mem>>) src(%arg18 : memref<128x32xf32, #tpu.memory_space<vmem>>) dst(%dma_wait3A_175 : memref<128x32xf32, #tpu.memory_space<hbm>>)
      tpu.yield
    }) : () -> ()
    %add3A_158 = arith.constant 256 : i32
    %add3A_159 = arith.addi %mul3A_2, %add3A_158 : i32
    "tpu.region"() ({
      %run_scoped3A = tpu.sem_alloc : memref<!tpu.dma_semaphore, #tpu.memory_space<semaphore_mem>>
      %dma_start3A_164 = arith.constant 0 : i32
      %dma_start3A_165 = tpu.memref_slice %arg20[%add3A_159, %dma_start3A_164] : memref<10240x32xf32, #tpu.memory_space<vmem_shared>> -> memref<128x32xf32, #tpu.memory_space<vmem_shared>>
      %dma_start3A_166 = arith.constant 0 : i32
      %dma_start3A_167 = tpu.memref_slice %arg20[%add3A_159, %dma_start3A_166] : memref<10240x32xf32, #tpu.memory_space<vmem_shared>> -> memref<128x32xf32, #tpu.memory_space<vmem_shared>>
      tpu.enqueue_dma source(%dma_start3A_167 : memref<128x32xf32, #tpu.memory_space<vmem_shared>>) target(%arg18 : memref<128x32xf32, #tpu.memory_space<vmem>>) target_semaphore(%run_scoped3A : memref<!tpu.dma_semaphore, #tpu.memory_space<semaphore_mem>>)
      %dma_wait3A_168 = arith.constant 0 : i32
      %dma_wait3A_169 = tpu.memref_slice %arg20[%add3A_159, %dma_wait3A_168] : memref<10240x32xf32, #tpu.memory_space<vmem_shared>> -> memref<128x32xf32, #tpu.memory_space<vmem_shared>>
      %dma_wait3A_170 = arith.constant 0 : i32
      %dma_wait3A_171 = tpu.memref_slice %arg20[%add3A_159, %dma_wait3A_170] : memref<10240x32xf32, #tpu.memory_space<vmem_shared>> -> memref<128x32xf32, #tpu.memory_space<vmem_shared>>
      tpu.wait_dma2 semaphore(%run_scoped3A : memref<!tpu.dma_semaphore, #tpu.memory_space<semaphore_mem>>) src(%dma_wait3A_171 : memref<128x32xf32, #tpu.memory_space<vmem_shared>>) dst(%arg18 : memref<128x32xf32, #tpu.memory_space<vmem>>)
      tpu.yield
    }) : () -> ()
    "tpu.region"() ({
      %run_scoped3A = tpu.sem_alloc : memref<!tpu.dma_semaphore, #tpu.memory_space<semaphore_mem>>
      %dma_start3A_164 = arith.constant 0 : i32
      %dma_start3A_165 = tpu.memref_slice %arg7[%arg0, %add3A_159, %dma_start3A_164] : memref<2x10240x32xf32, #tpu.memory_space<hbm>> -> memref<1x128x32xf32, #tpu.memory_space<hbm>>
      %dma_start3A_166 = tpu.memref_squeeze %dma_start3A_165 : memref<1x128x32xf32, #tpu.memory_space<hbm>> -> memref<128x32xf32, #tpu.memory_space<hbm>>
      %dma_start3A_167 = arith.constant 0 : i32
      %dma_start3A_168 = tpu.memref_slice %arg7[%arg0, %add3A_159, %dma_start3A_167] : memref<2x10240x32xf32, #tpu.memory_space<hbm>> -> memref<1x128x32xf32, #tpu.memory_space<hbm>>
      %dma_start3A_169 = tpu.memref_squeeze %dma_start3A_168 : memref<1x128x32xf32, #tpu.memory_space<hbm>> -> memref<128x32xf32, #tpu.memory_space<hbm>>
      tpu.enqueue_dma source(%arg18 : memref<128x32xf32, #tpu.memory_space<vmem>>) target(%dma_start3A_169 : memref<128x32xf32, #tpu.memory_space<hbm>>) target_semaphore(%run_scoped3A : memref<!tpu.dma_semaphore, #tpu.memory_space<semaphore_mem>>)
      %dma_wait3A_170 = arith.constant 0 : i32
      %dma_wait3A_171 = tpu.memref_slice %arg7[%arg0, %add3A_159, %dma_wait3A_170] : memref<2x10240x32xf32, #tpu.memory_space<hbm>> -> memref<1x128x32xf32, #tpu.memory_space<hbm>>
      %dma_wait3A_172 = tpu.memref_squeeze %dma_wait3A_171 : memref<1x128x32xf32, #tpu.memory_space<hbm>> -> memref<128x32xf32, #tpu.memory_space<hbm>>
      %dma_wait3A_173 = arith.constant 0 : i32
      %dma_wait3A_174 = tpu.memref_slice %arg7[%arg0, %add3A_159, %dma_wait3A_173] : memref<2x10240x32xf32, #tpu.memory_space<hbm>> -> memref<1x128x32xf32, #tpu.memory_space<hbm>>
      %dma_wait3A_175 = tpu.memref_squeeze %dma_wait3A_174 : memref<1x128x32xf32, #tpu.memory_space<hbm>> -> memref<128x32xf32, #tpu.memory_space<hbm>>
      tpu.wait_dma2 semaphore(%run_scoped3A : memref<!tpu.dma_semaphore, #tpu.memory_space<semaphore_mem>>) src(%arg18 : memref<128x32xf32, #tpu.memory_space<vmem>>) dst(%dma_wait3A_175 : memref<128x32xf32, #tpu.memory_space<hbm>>)
      tpu.yield
    }) : () -> ()
    %add3A_160 = arith.constant 384 : i32
    %add3A_161 = arith.addi %mul3A_2, %add3A_160 : i32
    "tpu.region"() ({
      %run_scoped3A = tpu.sem_alloc : memref<!tpu.dma_semaphore, #tpu.memory_space<semaphore_mem>>
      %dma_start3A_164 = arith.constant 0 : i32
      %dma_start3A_165 = tpu.memref_slice %arg20[%add3A_161, %dma_start3A_164] : memref<10240x32xf32, #tpu.memory_space<vmem_shared>> -> memref<128x32xf32, #tpu.memory_space<vmem_shared>>
      %dma_start3A_166 = arith.constant 0 : i32
      %dma_start3A_167 = tpu.memref_slice %arg20[%add3A_161, %dma_start3A_166] : memref<10240x32xf32, #tpu.memory_space<vmem_shared>> -> memref<128x32xf32, #tpu.memory_space<vmem_shared>>
      tpu.enqueue_dma source(%dma_start3A_167 : memref<128x32xf32, #tpu.memory_space<vmem_shared>>) target(%arg18 : memref<128x32xf32, #tpu.memory_space<vmem>>) target_semaphore(%run_scoped3A : memref<!tpu.dma_semaphore, #tpu.memory_space<semaphore_mem>>)
      %dma_wait3A_168 = arith.constant 0 : i32
      %dma_wait3A_169 = tpu.memref_slice %arg20[%add3A_161, %dma_wait3A_168] : memref<10240x32xf32, #tpu.memory_space<vmem_shared>> -> memref<128x32xf32, #tpu.memory_space<vmem_shared>>
      %dma_wait3A_170 = arith.constant 0 : i32
      %dma_wait3A_171 = tpu.memref_slice %arg20[%add3A_161, %dma_wait3A_170] : memref<10240x32xf32, #tpu.memory_space<vmem_shared>> -> memref<128x32xf32, #tpu.memory_space<vmem_shared>>
      tpu.wait_dma2 semaphore(%run_scoped3A : memref<!tpu.dma_semaphore, #tpu.memory_space<semaphore_mem>>) src(%dma_wait3A_171 : memref<128x32xf32, #tpu.memory_space<vmem_shared>>) dst(%arg18 : memref<128x32xf32, #tpu.memory_space<vmem>>)
      tpu.yield
    }) : () -> ()
    "tpu.region"() ({
      %run_scoped3A = tpu.sem_alloc : memref<!tpu.dma_semaphore, #tpu.memory_space<semaphore_mem>>
      %dma_start3A_164 = arith.constant 0 : i32
      %dma_start3A_165 = tpu.memref_slice %arg7[%arg0, %add3A_161, %dma_start3A_164] : memref<2x10240x32xf32, #tpu.memory_space<hbm>> -> memref<1x128x32xf32, #tpu.memory_space<hbm>>
      %dma_start3A_166 = tpu.memref_squeeze %dma_start3A_165 : memref<1x128x32xf32, #tpu.memory_space<hbm>> -> memref<128x32xf32, #tpu.memory_space<hbm>>
      %dma_start3A_167 = arith.constant 0 : i32
      %dma_start3A_168 = tpu.memref_slice %arg7[%arg0, %add3A_161, %dma_start3A_167] : memref<2x10240x32xf32, #tpu.memory_space<hbm>> -> memref<1x128x32xf32, #tpu.memory_space<hbm>>
      %dma_start3A_169 = tpu.memref_squeeze %dma_start3A_168 : memref<1x128x32xf32, #tpu.memory_space<hbm>> -> memref<128x32xf32, #tpu.memory_space<hbm>>
      tpu.enqueue_dma source(%arg18 : memref<128x32xf32, #tpu.memory_space<vmem>>) target(%dma_start3A_169 : memref<128x32xf32, #tpu.memory_space<hbm>>) target_semaphore(%run_scoped3A : memref<!tpu.dma_semaphore, #tpu.memory_space<semaphore_mem>>)
      %dma_wait3A_170 = arith.constant 0 : i32
      %dma_wait3A_171 = tpu.memref_slice %arg7[%arg0, %add3A_161, %dma_wait3A_170] : memref<2x10240x32xf32, #tpu.memory_space<hbm>> -> memref<1x128x32xf32, #tpu.memory_space<hbm>>
      %dma_wait3A_172 = tpu.memref_squeeze %dma_wait3A_171 : memref<1x128x32xf32, #tpu.memory_space<hbm>> -> memref<128x32xf32, #tpu.memory_space<hbm>>
      %dma_wait3A_173 = arith.constant 0 : i32
      %dma_wait3A_174 = tpu.memref_slice %arg7[%arg0, %add3A_161, %dma_wait3A_173] : memref<2x10240x32xf32, #tpu.memory_space<hbm>> -> memref<1x128x32xf32, #tpu.memory_space<hbm>>
      %dma_wait3A_175 = tpu.memref_squeeze %dma_wait3A_174 : memref<1x128x32xf32, #tpu.memory_space<hbm>> -> memref<128x32xf32, #tpu.memory_space<hbm>>
      tpu.wait_dma2 semaphore(%run_scoped3A : memref<!tpu.dma_semaphore, #tpu.memory_space<semaphore_mem>>) src(%arg18 : memref<128x32xf32, #tpu.memory_space<vmem>>) dst(%dma_wait3A_175 : memref<128x32xf32, #tpu.memory_space<hbm>>)
      tpu.yield
    }) : () -> ()
    %add3A_162 = arith.constant 512 : i32
    %add3A_163 = arith.addi %mul3A_2, %add3A_162 : i32
    "tpu.region"() ({
      %run_scoped3A = tpu.sem_alloc : memref<!tpu.dma_semaphore, #tpu.memory_space<semaphore_mem>>
      %dma_start3A_164 = arith.constant 0 : i32
      %dma_start3A_165 = tpu.memref_slice %arg20[%add3A_163, %dma_start3A_164] : memref<10240x32xf32, #tpu.memory_space<vmem_shared>> -> memref<128x32xf32, #tpu.memory_space<vmem_shared>>
      %dma_start3A_166 = arith.constant 0 : i32
      %dma_start3A_167 = tpu.memref_slice %arg20[%add3A_163, %dma_start3A_166] : memref<10240x32xf32, #tpu.memory_space<vmem_shared>> -> memref<128x32xf32, #tpu.memory_space<vmem_shared>>
      tpu.enqueue_dma source(%dma_start3A_167 : memref<128x32xf32, #tpu.memory_space<vmem_shared>>) target(%arg18 : memref<128x32xf32, #tpu.memory_space<vmem>>) target_semaphore(%run_scoped3A : memref<!tpu.dma_semaphore, #tpu.memory_space<semaphore_mem>>)
      %dma_wait3A_168 = arith.constant 0 : i32
      %dma_wait3A_169 = tpu.memref_slice %arg20[%add3A_163, %dma_wait3A_168] : memref<10240x32xf32, #tpu.memory_space<vmem_shared>> -> memref<128x32xf32, #tpu.memory_space<vmem_shared>>
      %dma_wait3A_170 = arith.constant 0 : i32
      %dma_wait3A_171 = tpu.memref_slice %arg20[%add3A_163, %dma_wait3A_170] : memref<10240x32xf32, #tpu.memory_space<vmem_shared>> -> memref<128x32xf32, #tpu.memory_space<vmem_shared>>
      tpu.wait_dma2 semaphore(%run_scoped3A : memref<!tpu.dma_semaphore, #tpu.memory_space<semaphore_mem>>) src(%dma_wait3A_171 : memref<128x32xf32, #tpu.memory_space<vmem_shared>>) dst(%arg18 : memref<128x32xf32, #tpu.memory_space<vmem>>)
      tpu.yield
    }) : () -> ()
    "tpu.region"() ({
      %run_scoped3A = tpu.sem_alloc : memref<!tpu.dma_semaphore, #tpu.memory_space<semaphore_mem>>
      %dma_start3A_164 = arith.constant 0 : i32
      %dma_start3A_165 = tpu.memref_slice %arg7[%arg0, %add3A_163, %dma_start3A_164] : memref<2x10240x32xf32, #tpu.memory_space<hbm>> -> memref<1x128x32xf32, #tpu.memory_space<hbm>>
      %dma_start3A_166 = tpu.memref_squeeze %dma_start3A_165 : memref<1x128x32xf32, #tpu.memory_space<hbm>> -> memref<128x32xf32, #tpu.memory_space<hbm>>
      %dma_start3A_167 = arith.constant 0 : i32
      %dma_start3A_168 = tpu.memref_slice %arg7[%arg0, %add3A_163, %dma_start3A_167] : memref<2x10240x32xf32, #tpu.memory_space<hbm>> -> memref<1x128x32xf32, #tpu.memory_space<hbm>>
      %dma_start3A_169 = tpu.memref_squeeze %dma_start3A_168 : memref<1x128x32xf32, #tpu.memory_space<hbm>> -> memref<128x32xf32, #tpu.memory_space<hbm>>
      tpu.enqueue_dma source(%arg18 : memref<128x32xf32, #tpu.memory_space<vmem>>) target(%dma_start3A_169 : memref<128x32xf32, #tpu.memory_space<hbm>>) target_semaphore(%run_scoped3A : memref<!tpu.dma_semaphore, #tpu.memory_space<semaphore_mem>>)
      %dma_wait3A_170 = arith.constant 0 : i32
      %dma_wait3A_171 = tpu.memref_slice %arg7[%arg0, %add3A_163, %dma_wait3A_170] : memref<2x10240x32xf32, #tpu.memory_space<hbm>> -> memref<1x128x32xf32, #tpu.memory_space<hbm>>
      %dma_wait3A_172 = tpu.memref_squeeze %dma_wait3A_171 : memref<1x128x32xf32, #tpu.memory_space<hbm>> -> memref<128x32xf32, #tpu.memory_space<hbm>>
      %dma_wait3A_173 = arith.constant 0 : i32
      %dma_wait3A_174 = tpu.memref_slice %arg7[%arg0, %add3A_163, %dma_wait3A_173] : memref<2x10240x32xf32, #tpu.memory_space<hbm>> -> memref<1x128x32xf32, #tpu.memory_space<hbm>>
      %dma_wait3A_175 = tpu.memref_squeeze %dma_wait3A_174 : memref<1x128x32xf32, #tpu.memory_space<hbm>> -> memref<128x32xf32, #tpu.memory_space<hbm>>
      tpu.wait_dma2 semaphore(%run_scoped3A : memref<!tpu.dma_semaphore, #tpu.memory_space<semaphore_mem>>) src(%arg18 : memref<128x32xf32, #tpu.memory_space<vmem>>) dst(%dma_wait3A_175 : memref<128x32xf32, #tpu.memory_space<hbm>>)
      tpu.yield
    }) : () -> ()
    return
  }
}

module attributes {stable_mosaic.version = 14 : i64} {
  func.func @_node_body(%arg0: i32, %arg1: memref<512x128xf32, #tpu.memory_space<vmem>>, %arg2: memref<128x16xf32, #tpu.memory_space<vmem>>, %arg3: memref<1x16xf32, #tpu.memory_space<vmem>>, %arg4: memref<16x64xf32, #tpu.memory_space<vmem>>, %arg5: memref<16x64xf32, #tpu.memory_space<vmem>>, %arg6: memref<16x256xf32, #tpu.memory_space<vmem>>, %arg7: memref<16x256xf32, #tpu.memory_space<vmem>>, %arg8: memref<16x16xf32, #tpu.memory_space<vmem>>, %arg9: memref<16x16xf32, #tpu.memory_space<vmem>>, %arg10: memref<16x256xf32, #tpu.memory_space<vmem>>, %arg11: memref<256x16xf32, #tpu.memory_space<vmem>>, %arg12: memref<512x16xf32, #tpu.memory_space<vmem>>, %arg13: memref<512x16xf32, #tpu.memory_space<vmem>>, %arg14: memref<512x80xf32, #tpu.memory_space<vmem>>) attributes {dimension_semantics = [#tpu.dimension_semantics<arbitrary>], iteration_bounds = array<i64: 20>, scalar_prefetch = 0 : i64, scratch_operands = 0 : i64, tpu.core_type = #tpu.core_type<tc>, window_params = [{transform_indices = @transform_0, window_bounds = array<i64: 512, 128>}, {pipeline_mode = #tpu.pipeline_mode<synchronous>, transform_indices = @transform_1, window_bounds = array<i64: 128, 16>}, {pipeline_mode = #tpu.pipeline_mode<synchronous>, transform_indices = @transform_2, window_bounds = array<i64: 1, 16>}, {pipeline_mode = #tpu.pipeline_mode<synchronous>, transform_indices = @transform_3, window_bounds = array<i64: 16, 64>}, {pipeline_mode = #tpu.pipeline_mode<synchronous>, transform_indices = @transform_4, window_bounds = array<i64: 16, 64>}, {pipeline_mode = #tpu.pipeline_mode<synchronous>, transform_indices = @transform_5, window_bounds = array<i64: 16, 256>}, {pipeline_mode = #tpu.pipeline_mode<synchronous>, transform_indices = @transform_6, window_bounds = array<i64: 16, 256>}, {pipeline_mode = #tpu.pipeline_mode<synchronous>, transform_indices = @transform_7, window_bounds = array<i64: 16, 16>}, {pipeline_mode = #tpu.pipeline_mode<synchronous>, transform_indices = @transform_8, window_bounds = array<i64: 16, 16>}, {pipeline_mode = #tpu.pipeline_mode<synchronous>, transform_indices = @transform_9, window_bounds = array<i64: 16, 256>}, {pipeline_mode = #tpu.pipeline_mode<synchronous>, transform_indices = @transform_10, window_bounds = array<i64: 256, 16>}, {transform_indices = @transform_11, window_bounds = array<i64: 512, 16>}, {transform_indices = @transform_12, window_bounds = array<i64: 512, 16>}, {transform_indices = @transform_13, window_bounds = array<i64: 512, 80>}]} {
    %get3A = arith.constant 0 : index
    %get3A_0 = arith.constant 0 : index
    %get3A_1 = vector.load %arg1[%get3A, %get3A_0] : memref<512x128xf32, #tpu.memory_space<vmem>>, vector<512x128xf32>
    %get3A_2 = arith.constant 0 : index
    %get3A_3 = arith.constant 0 : index
    %get3A_4 = vector.load %arg2[%get3A_2, %get3A_3] : memref<128x16xf32, #tpu.memory_space<vmem>>, vector<128x16xf32>
    %dot_general3A = arith.constant dense<0.000000e+00> : vector<512x16xf32>
    %dot_general3A_5 = tpu.matmul %get3A_1, %get3A_4, %dot_general3A {dimension_numbers = #tpu.dot_dimension_numbers<[1], [0], [0], [1], [0, 0, 1, 1], [], []>, transpose_lhs_hint = false} : vector<512x128xf32>, vector<128x16xf32>, vector<512x16xf32> -> vector<512x16xf32>
    %get3A_6 = arith.constant 0 : index
    %get3A_7 = arith.constant 0 : index
    %get3A_8 = vector.load %arg3[%get3A_6, %get3A_7] : memref<1x16xf32, #tpu.memory_space<vmem>>, vector<1x16xf32>
    %add3A = vector.broadcast %get3A_8 : vector<1x16xf32> to vector<512x16xf32>
    %add3A_9 = arith.addf %dot_general3A_5, %add3A : vector<512x16xf32>
    %max3A = arith.constant 0.000000e+00 : f32
    %max3A_10 = vector.broadcast %max3A : f32 to vector<512x16xf32>
    %max3A_11 = arith.maximumf %add3A_9, %max3A_10 : vector<512x16xf32>
    %get3A_12 = arith.constant 0 : index
    %get3A_13 = arith.constant 0 : index
    %get3A_14 = vector.load %arg12[%get3A_12, %get3A_13] : memref<512x16xf32, #tpu.memory_space<vmem>>, vector<512x16xf32>
    %get3A_15 = arith.constant 0 : index
    %get3A_16 = arith.constant 0 : index
    %get3A_17 = vector.load %arg4[%get3A_15, %get3A_16] : memref<16x64xf32, #tpu.memory_space<vmem>>, vector<16x64xf32>
    %dot_general3A_18 = arith.constant dense<0.000000e+00> : vector<512x64xf32>
    %dot_general3A_19 = tpu.matmul %max3A_11, %get3A_17, %dot_general3A_18 {dimension_numbers = #tpu.dot_dimension_numbers<[1], [0], [0], [1], [0, 0, 1, 1], [], []>, transpose_lhs_hint = false} : vector<512x16xf32>, vector<16x64xf32>, vector<512x64xf32> -> vector<512x64xf32>
    %get3A_20 = arith.constant 0 : index
    %get3A_21 = arith.constant 0 : index
    %get3A_22 = vector.load %arg5[%get3A_20, %get3A_21] : memref<16x64xf32, #tpu.memory_space<vmem>>, vector<16x64xf32>
    %dot_general3A_23 = arith.constant dense<0.000000e+00> : vector<512x64xf32>
    %dot_general3A_24 = tpu.matmul %max3A_11, %get3A_22, %dot_general3A_23 {dimension_numbers = #tpu.dot_dimension_numbers<[1], [0], [0], [1], [0, 0, 1, 1], [], []>, transpose_lhs_hint = false} : vector<512x16xf32>, vector<16x64xf32>, vector<512x64xf32> -> vector<512x64xf32>
    %concatenate3A = tpu.concatenate %get3A_14, %get3A_14, %get3A_14, %get3A_14 in 1 : vector<512x16xf32>, vector<512x16xf32>, vector<512x16xf32>, vector<512x16xf32> -> vector<512x64xf32>
    %mul3A = arith.mulf %concatenate3A, %dot_general3A_24 : vector<512x64xf32>
    %add3A_25 = arith.addf %dot_general3A_19, %mul3A : vector<512x64xf32>
    %get3A_26 = arith.constant 0 : index
    %get3A_27 = arith.constant 0 : index
    %get3A_28 = vector.load %arg6[%get3A_26, %get3A_27] : memref<16x256xf32, #tpu.memory_space<vmem>>, vector<16x256xf32>
    %dot_general3A_29 = arith.constant dense<0.000000e+00> : vector<512x256xf32>
    %dot_general3A_30 = tpu.matmul %max3A_11, %get3A_28, %dot_general3A_29 {dimension_numbers = #tpu.dot_dimension_numbers<[1], [0], [0], [1], [0, 0, 1, 1], [], []>, transpose_lhs_hint = false} : vector<512x16xf32>, vector<16x256xf32>, vector<512x256xf32> -> vector<512x256xf32>
    %get3A_31 = arith.constant 0 : index
    %get3A_32 = arith.constant 0 : index
    %get3A_33 = vector.load %arg7[%get3A_31, %get3A_32] : memref<16x256xf32, #tpu.memory_space<vmem>>, vector<16x256xf32>
    %dot_general3A_34 = arith.constant dense<0.000000e+00> : vector<512x256xf32>
    %dot_general3A_35 = tpu.matmul %max3A_11, %get3A_33, %dot_general3A_34 {dimension_numbers = #tpu.dot_dimension_numbers<[1], [0], [0], [1], [0, 0, 1, 1], [], []>, transpose_lhs_hint = false} : vector<512x16xf32>, vector<16x256xf32>, vector<512x256xf32> -> vector<512x256xf32>
    %get3A_36 = arith.constant 0 : index
    %get3A_37 = arith.constant 0 : index
    %get3A_38 = vector.load %arg10[%get3A_36, %get3A_37] : memref<16x256xf32, #tpu.memory_space<vmem>>, vector<16x256xf32>
    %dot_general3A_39 = arith.constant dense<0.000000e+00> : vector<512x256xf32>
    %dot_general3A_40 = tpu.matmul %max3A_11, %get3A_38, %dot_general3A_39 {dimension_numbers = #tpu.dot_dimension_numbers<[1], [0], [0], [1], [0, 0, 1, 1], [], []>, transpose_lhs_hint = false} : vector<512x16xf32>, vector<16x256xf32>, vector<512x256xf32> -> vector<512x256xf32>
    %mul3A_41 = arith.mulf %dot_general3A_30, %dot_general3A_40 : vector<512x256xf32>
    %get3A_42 = arith.constant 0 : index
    %get3A_43 = arith.constant 0 : index
    %get3A_44 = vector.load %arg11[%get3A_42, %get3A_43] : memref<256x16xf32, #tpu.memory_space<vmem>>, vector<256x16xf32>
    %dot_general3A_45 = arith.constant dense<0.000000e+00> : vector<512x16xf32>
    %dot_general3A_46 = tpu.matmul %mul3A_41, %get3A_44, %dot_general3A_45 {dimension_numbers = #tpu.dot_dimension_numbers<[1], [0], [0], [1], [0, 0, 1, 1], [], []>, transpose_lhs_hint = false} : vector<512x256xf32>, vector<256x16xf32>, vector<512x16xf32> -> vector<512x16xf32>
    %mul3A_47 = arith.mulf %dot_general3A_35, %dot_general3A_40 : vector<512x256xf32>
    %get3A_48 = arith.constant 0 : index
    %get3A_49 = arith.constant 0 : index
    %get3A_50 = vector.load %arg11[%get3A_48, %get3A_49] : memref<256x16xf32, #tpu.memory_space<vmem>>, vector<256x16xf32>
    %dot_general3A_51 = arith.constant dense<0.000000e+00> : vector<512x16xf32>
    %dot_general3A_52 = tpu.matmul %mul3A_47, %get3A_50, %dot_general3A_51 {dimension_numbers = #tpu.dot_dimension_numbers<[1], [0], [0], [1], [0, 0, 1, 1], [], []>, transpose_lhs_hint = false} : vector<512x256xf32>, vector<256x16xf32>, vector<512x16xf32> -> vector<512x16xf32>
    %get3A_53 = arith.constant 0 : index
    %get3A_54 = arith.constant 0 : index
    %get3A_55 = vector.load %arg8[%get3A_53, %get3A_54] : memref<16x16xf32, #tpu.memory_space<vmem>>, vector<16x16xf32>
    %dot_general3A_56 = arith.constant dense<0.000000e+00> : vector<512x16xf32>
    %dot_general3A_57 = tpu.matmul %max3A_11, %get3A_55, %dot_general3A_56 {dimension_numbers = #tpu.dot_dimension_numbers<[1], [0], [0], [1], [0, 0, 1, 1], [], []>, transpose_lhs_hint = false} : vector<512x16xf32>, vector<16x16xf32>, vector<512x16xf32> -> vector<512x16xf32>
    %mul3A_58 = arith.mulf %get3A_14, %dot_general3A_57 : vector<512x16xf32>
    %sub3A = arith.constant 1.000000e+00 : f32
    %sub3A_59 = vector.broadcast %sub3A : f32 to vector<512x16xf32>
    %sub3A_60 = arith.subf %sub3A_59, %get3A_14 : vector<512x16xf32>
    %get3A_61 = arith.constant 0 : index
    %get3A_62 = arith.constant 0 : index
    %get3A_63 = vector.load %arg9[%get3A_61, %get3A_62] : memref<16x16xf32, #tpu.memory_space<vmem>>, vector<16x16xf32>
    %dot_general3A_64 = arith.constant dense<0.000000e+00> : vector<512x16xf32>
    %dot_general3A_65 = tpu.matmul %max3A_11, %get3A_63, %dot_general3A_64 {dimension_numbers = #tpu.dot_dimension_numbers<[1], [0], [0], [1], [0, 0, 1, 1], [], []>, transpose_lhs_hint = false} : vector<512x16xf32>, vector<16x16xf32>, vector<512x16xf32> -> vector<512x16xf32>
    %mul3A_66 = arith.mulf %sub3A_60, %dot_general3A_65 : vector<512x16xf32>
    %add3A_67 = arith.addf %mul3A_58, %mul3A_66 : vector<512x16xf32>
    %add3A_68 = arith.addf %dot_general3A_46, %add3A_67 : vector<512x16xf32>
    %sub3A_69 = arith.constant 1.000000e+00 : f32
    %sub3A_70 = vector.broadcast %sub3A_69 : f32 to vector<512x16xf32>
    %sub3A_71 = arith.subf %sub3A_70, %get3A_14 : vector<512x16xf32>
    %mul3A_72 = arith.mulf %sub3A_71, %dot_general3A_52 : vector<512x16xf32>
    %add3A_73 = arith.addf %add3A_68, %mul3A_72 : vector<512x16xf32>
    %swap3A = arith.constant 0 : index
    %swap3A_74 = arith.constant 0 : index
    %swap3A_75 = vector.load %arg13[%swap3A, %swap3A_74] : memref<512x16xf32, #tpu.memory_space<vmem>>, vector<512x16xf32>
    tpu.vector_store %arg13[%swap3A, %swap3A_74], %max3A_11 {strides = array<i32>} : memref<512x16xf32, #tpu.memory_space<vmem>>, vector<512x16xf32>,
    %concatenate3A_76 = tpu.concatenate %add3A_25, %add3A_73 in 1 : vector<512x64xf32>, vector<512x16xf32> -> vector<512x80xf32>
    %swap3A_77 = arith.constant 0 : index
    %swap3A_78 = arith.constant 0 : index
    %swap3A_79 = vector.load %arg14[%swap3A_77, %swap3A_78] : memref<512x80xf32, #tpu.memory_space<vmem>>, vector<512x80xf32>
    tpu.vector_store %arg14[%swap3A_77, %swap3A_78], %concatenate3A_76 {strides = array<i32>} : memref<512x80xf32, #tpu.memory_space<vmem>>, vector<512x80xf32>,
    return
  }
  func.func @transform_0(%arg0: i32) -> (i32, i32) {
    %c0_i32 = arith.constant 0 : i32
    %c0_i32_0 = arith.constant 0 : i32
    return %arg0, %c0_i32 : i32, i32
  }
  func.func @transform_1(%arg0: i32) -> (i32, i32) {
    %c0_i32 = arith.constant 0 : i32
    %c0_i32_0 = arith.constant 0 : i32
    %c0_i32_1 = arith.constant 0 : i32
    return %c0_i32, %c0_i32_0 : i32, i32
  }
  func.func @transform_2(%arg0: i32) -> (i32, i32) {
    %c0_i32 = arith.constant 0 : i32
    %c0_i32_0 = arith.constant 0 : i32
    %c0_i32_1 = arith.constant 0 : i32
    return %c0_i32, %c0_i32_0 : i32, i32
  }
  func.func @transform_3(%arg0: i32) -> (i32, i32) {
    %c0_i32 = arith.constant 0 : i32
    %c0_i32_0 = arith.constant 0 : i32
    %c0_i32_1 = arith.constant 0 : i32
    return %c0_i32, %c0_i32_0 : i32, i32
  }
  func.func @transform_4(%arg0: i32) -> (i32, i32) {
    %c0_i32 = arith.constant 0 : i32
    %c0_i32_0 = arith.constant 0 : i32
    %c0_i32_1 = arith.constant 0 : i32
    return %c0_i32, %c0_i32_0 : i32, i32
  }
  func.func @transform_5(%arg0: i32) -> (i32, i32) {
    %c0_i32 = arith.constant 0 : i32
    %c0_i32_0 = arith.constant 0 : i32
    %c0_i32_1 = arith.constant 0 : i32
    return %c0_i32, %c0_i32_0 : i32, i32
  }
  func.func @transform_6(%arg0: i32) -> (i32, i32) {
    %c0_i32 = arith.constant 0 : i32
    %c0_i32_0 = arith.constant 0 : i32
    %c0_i32_1 = arith.constant 0 : i32
    return %c0_i32, %c0_i32_0 : i32, i32
  }
  func.func @transform_7(%arg0: i32) -> (i32, i32) {
    %c0_i32 = arith.constant 0 : i32
    %c0_i32_0 = arith.constant 0 : i32
    %c0_i32_1 = arith.constant 0 : i32
    return %c0_i32, %c0_i32_0 : i32, i32
  }
  func.func @transform_8(%arg0: i32) -> (i32, i32) {
    %c0_i32 = arith.constant 0 : i32
    %c0_i32_0 = arith.constant 0 : i32
    %c0_i32_1 = arith.constant 0 : i32
    return %c0_i32, %c0_i32_0 : i32, i32
  }
  func.func @transform_9(%arg0: i32) -> (i32, i32) {
    %c0_i32 = arith.constant 0 : i32
    %c0_i32_0 = arith.constant 0 : i32
    %c0_i32_1 = arith.constant 0 : i32
    return %c0_i32, %c0_i32_0 : i32, i32
  }
  func.func @transform_10(%arg0: i32) -> (i32, i32) {
    %c0_i32 = arith.constant 0 : i32
    %c0_i32_0 = arith.constant 0 : i32
    %c0_i32_1 = arith.constant 0 : i32
    return %c0_i32, %c0_i32_0 : i32, i32
  }
  func.func @transform_11(%arg0: i32) -> (i32, i32) {
    %c0_i32 = arith.constant 0 : i32
    %c0_i32_0 = arith.constant 0 : i32
    return %arg0, %c0_i32 : i32, i32
  }
  func.func @transform_12(%arg0: i32) -> (i32, i32) {
    %c0_i32 = arith.constant 0 : i32
    %c0_i32_0 = arith.constant 0 : i32
    return %arg0, %c0_i32 : i32, i32
  }
  func.func @transform_13(%arg0: i32) -> (i32, i32) {
    %c0_i32 = arith.constant 0 : i32
    %c0_i32_0 = arith.constant 0 : i32
    return %arg0, %c0_i32 : i32, i32
  }
}

module attributes {stable_mosaic.version = 14 : i64} {
  func.func @_final_body(%arg0: i32, %arg1: memref<512x32xf32, #tpu.memory_space<vmem>>, %arg2: memref<512x32xf32, #tpu.memory_space<vmem>>, %arg3: memref<512x16xf32, #tpu.memory_space<vmem>>, %arg4: memref<16x48xf32, #tpu.memory_space<vmem>>, %arg5: memref<16x48xf32, #tpu.memory_space<vmem>>, %arg6: memref<1x48xf32, #tpu.memory_space<vmem>>, %arg7: memref<1x48xf32, #tpu.memory_space<vmem>>, %arg8: memref<512x16xf32, #tpu.memory_space<vmem>>) attributes {dimension_semantics = [#tpu.dimension_semantics<arbitrary>], iteration_bounds = array<i64: 20>, scalar_prefetch = 0 : i64, scratch_operands = 0 : i64, tpu.core_type = #tpu.core_type<tc>, window_params = [{transform_indices = @transform_0, window_bounds = array<i64: 512, 32>}, {transform_indices = @transform_1, window_bounds = array<i64: 512, 32>}, {transform_indices = @transform_2, window_bounds = array<i64: 512, 16>}, {pipeline_mode = #tpu.pipeline_mode<synchronous>, transform_indices = @transform_3, window_bounds = array<i64: 16, 48>}, {pipeline_mode = #tpu.pipeline_mode<synchronous>, transform_indices = @transform_4, window_bounds = array<i64: 16, 48>}, {pipeline_mode = #tpu.pipeline_mode<synchronous>, transform_indices = @transform_5, window_bounds = array<i64: 1, 48>}, {pipeline_mode = #tpu.pipeline_mode<synchronous>, transform_indices = @transform_6, window_bounds = array<i64: 1, 48>}, {transform_indices = @transform_7, window_bounds = array<i64: 512, 16>}]} {
    %get3A = arith.constant 0 : index
    %get3A_0 = arith.constant 0 : index
    %get3A_1 = vector.load %arg1[%get3A, %get3A_0] : memref<512x32xf32, #tpu.memory_space<vmem>>, vector<512x32xf32>
    %get3A_2 = arith.constant 0 : index
    %get3A_3 = arith.constant 0 : index
    %get3A_4 = vector.load %arg2[%get3A_2, %get3A_3] : memref<512x32xf32, #tpu.memory_space<vmem>>, vector<512x32xf32>
    %add3A = arith.addf %get3A_1, %get3A_4 : vector<512x32xf32>
    %slice3A = vector.extract_strided_slice %add3A {offsets = [0, 0], sizes = [512, 16], strides = [1, 1]} : vector<512x32xf32> to vector<512x16xf32>
    %slice3A_5 = vector.extract_strided_slice %add3A {offsets = [0, 16], sizes = [512, 1], strides = [1, 1]} : vector<512x32xf32> to vector<512x1xf32>
    %max3A = arith.constant 1.000000e+00 : f32
    %max3A_6 = vector.broadcast %max3A : f32 to vector<512x1xf32>
    %max3A_7 = arith.maximumf %slice3A_5, %max3A_6 : vector<512x1xf32>
    %div3A = vector.broadcast %max3A_7 : vector<512x1xf32> to vector<512x16xf32>
    %div3A_8 = arith.divf %slice3A, %div3A : vector<512x16xf32>
    %max3A_9 = arith.constant 0.000000e+00 : f32
    %max3A_10 = vector.broadcast %max3A_9 : f32 to vector<512x16xf32>
    %max3A_11 = arith.maximumf %div3A_8, %max3A_10 : vector<512x16xf32>
    %get3A_12 = arith.constant 0 : index
    %get3A_13 = arith.constant 0 : index
    %get3A_14 = vector.load %arg3[%get3A_12, %get3A_13] : memref<512x16xf32, #tpu.memory_space<vmem>>, vector<512x16xf32>
    %get3A_15 = arith.constant 0 : index
    %get3A_16 = arith.constant 0 : index
    %get3A_17 = vector.load %arg4[%get3A_15, %get3A_16] : memref<16x48xf32, #tpu.memory_space<vmem>>, vector<16x48xf32>
    %dot_general3A = arith.constant dense<0.000000e+00> : vector<512x48xf32>
    %dot_general3A_18 = tpu.matmul %max3A_11, %get3A_17, %dot_general3A {dimension_numbers = #tpu.dot_dimension_numbers<[1], [0], [0], [1], [0, 0, 1, 1], [], []>, transpose_lhs_hint = false} : vector<512x16xf32>, vector<16x48xf32>, vector<512x48xf32> -> vector<512x48xf32>
    %get3A_19 = arith.constant 0 : index
    %get3A_20 = arith.constant 0 : index
    %get3A_21 = vector.load %arg6[%get3A_19, %get3A_20] : memref<1x48xf32, #tpu.memory_space<vmem>>, vector<1x48xf32>
    %add3A_22 = vector.broadcast %get3A_21 : vector<1x48xf32> to vector<512x48xf32>
    %add3A_23 = arith.addf %dot_general3A_18, %add3A_22 : vector<512x48xf32>
    %get3A_24 = arith.constant 0 : index
    %get3A_25 = arith.constant 0 : index
    %get3A_26 = vector.load %arg5[%get3A_24, %get3A_25] : memref<16x48xf32, #tpu.memory_space<vmem>>, vector<16x48xf32>
    %dot_general3A_27 = arith.constant dense<0.000000e+00> : vector<512x48xf32>
    %dot_general3A_28 = tpu.matmul %get3A_14, %get3A_26, %dot_general3A_27 {dimension_numbers = #tpu.dot_dimension_numbers<[1], [0], [0], [1], [0, 0, 1, 1], [], []>, transpose_lhs_hint = false} : vector<512x16xf32>, vector<16x48xf32>, vector<512x48xf32> -> vector<512x48xf32>
    %get3A_29 = arith.constant 0 : index
    %get3A_30 = arith.constant 0 : index
    %get3A_31 = vector.load %arg7[%get3A_29, %get3A_30] : memref<1x48xf32, #tpu.memory_space<vmem>>, vector<1x48xf32>
    %add3A_32 = vector.broadcast %get3A_31 : vector<1x48xf32> to vector<512x48xf32>
    %add3A_33 = arith.addf %dot_general3A_28, %add3A_32 : vector<512x48xf32>
    %slice3A_34 = vector.extract_strided_slice %add3A_23 {offsets = [0, 0], sizes = [512, 16], strides = [1, 1]} : vector<512x48xf32> to vector<512x16xf32>
    %slice3A_35 = vector.extract_strided_slice %add3A_33 {offsets = [0, 0], sizes = [512, 16], strides = [1, 1]} : vector<512x48xf32> to vector<512x16xf32>
    %add3A_36 = arith.addf %slice3A_34, %slice3A_35 : vector<512x16xf32>
    %logistic3A = arith.negf %add3A_36 : vector<512x16xf32>
    %logistic3A_37 = math.exp %logistic3A : vector<512x16xf32>
    %logistic3A_38 = arith.constant 1.000000e+00 : f32
    %logistic3A_39 = vector.broadcast %logistic3A_38 : f32 to vector<512x16xf32>
    %logistic3A_40 = arith.addf %logistic3A_39, %logistic3A_37 : vector<512x16xf32>
    %logistic3A_41 = arith.divf %logistic3A_39, %logistic3A_40 : vector<512x16xf32>
    %slice3A_42 = vector.extract_strided_slice %add3A_23 {offsets = [0, 16], sizes = [512, 16], strides = [1, 1]} : vector<512x48xf32> to vector<512x16xf32>
    %slice3A_43 = vector.extract_strided_slice %add3A_33 {offsets = [0, 16], sizes = [512, 16], strides = [1, 1]} : vector<512x48xf32> to vector<512x16xf32>
    %add3A_44 = arith.addf %slice3A_42, %slice3A_43 : vector<512x16xf32>
    %logistic3A_45 = arith.negf %add3A_44 : vector<512x16xf32>
    %logistic3A_46 = math.exp %logistic3A_45 : vector<512x16xf32>
    %logistic3A_47 = arith.constant 1.000000e+00 : f32
    %logistic3A_48 = vector.broadcast %logistic3A_47 : f32 to vector<512x16xf32>
    %logistic3A_49 = arith.addf %logistic3A_48, %logistic3A_46 : vector<512x16xf32>
    %logistic3A_50 = arith.divf %logistic3A_48, %logistic3A_49 : vector<512x16xf32>
    %slice3A_51 = vector.extract_strided_slice %add3A_23 {offsets = [0, 32], sizes = [512, 16], strides = [1, 1]} : vector<512x48xf32> to vector<512x16xf32>
    %slice3A_52 = vector.extract_strided_slice %add3A_33 {offsets = [0, 32], sizes = [512, 16], strides = [1, 1]} : vector<512x48xf32> to vector<512x16xf32>
    %mul3A = arith.mulf %logistic3A_41, %slice3A_52 : vector<512x16xf32>
    %add3A_53 = arith.addf %slice3A_51, %mul3A : vector<512x16xf32>
    %tanh3A = math.tanh %add3A_53 : vector<512x16xf32>
    %sub3A = arith.constant 1.000000e+00 : f32
    %sub3A_54 = vector.broadcast %sub3A : f32 to vector<512x16xf32>
    %sub3A_55 = arith.subf %sub3A_54, %logistic3A_50 : vector<512x16xf32>
    %mul3A_56 = arith.mulf %sub3A_55, %tanh3A : vector<512x16xf32>
    %mul3A_57 = arith.mulf %logistic3A_50, %get3A_14 : vector<512x16xf32>
    %add3A_58 = arith.addf %mul3A_56, %mul3A_57 : vector<512x16xf32>
    %max3A_59 = arith.constant 0.000000e+00 : f32
    %max3A_60 = vector.broadcast %max3A_59 : f32 to vector<512x16xf32>
    %max3A_61 = arith.maximumf %add3A_58, %max3A_60 : vector<512x16xf32>
    %swap3A = arith.constant 0 : index
    %swap3A_62 = arith.constant 0 : index
    %swap3A_63 = vector.load %arg8[%swap3A, %swap3A_62] : memref<512x16xf32, #tpu.memory_space<vmem>>, vector<512x16xf32>
    tpu.vector_store %arg8[%swap3A, %swap3A_62], %max3A_61 {strides = array<i32>} : memref<512x16xf32, #tpu.memory_space<vmem>>, vector<512x16xf32>,
    return
  }
  func.func @transform_0(%arg0: i32) -> (i32, i32) {
    %c0_i32 = arith.constant 0 : i32
    %c0_i32_0 = arith.constant 0 : i32
    return %arg0, %c0_i32 : i32, i32
  }
  func.func @transform_1(%arg0: i32) -> (i32, i32) {
    %c0_i32 = arith.constant 0 : i32
    %c0_i32_0 = arith.constant 0 : i32
    return %arg0, %c0_i32 : i32, i32
  }
  func.func @transform_2(%arg0: i32) -> (i32, i32) {
    %c0_i32 = arith.constant 0 : i32
    %c0_i32_0 = arith.constant 0 : i32
    return %arg0, %c0_i32 : i32, i32
  }
  func.func @transform_3(%arg0: i32) -> (i32, i32) {
    %c0_i32 = arith.constant 0 : i32
    %c0_i32_0 = arith.constant 0 : i32
    %c0_i32_1 = arith.constant 0 : i32
    return %c0_i32, %c0_i32_0 : i32, i32
  }
  func.func @transform_4(%arg0: i32) -> (i32, i32) {
    %c0_i32 = arith.constant 0 : i32
    %c0_i32_0 = arith.constant 0 : i32
    %c0_i32_1 = arith.constant 0 : i32
    return %c0_i32, %c0_i32_0 : i32, i32
  }
  func.func @transform_5(%arg0: i32) -> (i32, i32) {
    %c0_i32 = arith.constant 0 : i32
    %c0_i32_0 = arith.constant 0 : i32
    %c0_i32_1 = arith.constant 0 : i32
    return %c0_i32, %c0_i32_0 : i32, i32
  }
  func.func @transform_6(%arg0: i32) -> (i32, i32) {
    %c0_i32 = arith.constant 0 : i32
    %c0_i32_0 = arith.constant 0 : i32
    %c0_i32_1 = arith.constant 0 : i32
    return %c0_i32, %c0_i32_0 : i32, i32
  }
  func.func @transform_7(%arg0: i32) -> (i32, i32) {
    %c0_i32 = arith.constant 0 : i32
    %c0_i32_0 = arith.constant 0 : i32
    return %arg0, %c0_i32 : i32, i32
  }
}

</mosaic_0001>

<sc_bundles>
// kernel: kernel.5.cloned.1.call-start
scs
__scs_entry_jumppad:
0x0: {  	(pc) =	sbr.rel $0x88, $3  }
0x1: {  	(tag) =	ssettag $0x0;
	lr =	simm.s32 $0x1  }
0x2: {  	[smem:$0x3F91] =	sst lr;
	_ =	strace $0xD0000000  }
0x3: {  	_ = 	snop  }
0x4: {  	_ = 	snop  }
0x5: {  	_ = 	snop  }
0x6: {  	_ = 	snop  }
0x7: {  	_ = 	snop  }
__scs_overlays_trampoline_lowered:
0x8: {  	[smem:$0x3FA0] =	sst s0  }
0x9: {  	[smem:$0x3FA1] =	sst s1  }
0xa: {  	[smem:$0x3FA2] =	sst s2  }
0xb: {  	[smem:$0x3FA3] =	sst s3  }
0xc: {  	[smem:$0x3FA4] =	sst s4  }
0xd: {  	[smem:$0x3FA5] =	sst s5  }
0xe: {  	[smem:$0x3FA6] =	sst s6  }
0xf: {  	[smem:$0x3FA7] =	sst s7  }
0x10: {  	[smem:$0x3FA8] =	sst s8  }
0x11: {  	[smem:$0x3FA9] =	sst s9;
	s0 =	simm.s32 @!p0 $0x0  }
0x12: {  	s1 =	sld [smem:$0x3F8F];
	s0 =	simm.s32 @p0 $0x1  }
0x13: {  	[smem:$0x3FAA] =	sst s0;
	s0 =	simm.s32 @!p1 $0x0  }
0x14: {  	s2 =	sld [smem:$0x3F8E];
	s0 =	simm.s32 @p1 $0x1  }
0x15: {  	[smem:$0x3FAB] =	sst s0;
	s0 =	simm.s32 @!p2 $0x0  }
0x16: {  	s3 =	sld [smem:$0x3FDB];
	s0 =	simm.s32 @p2 $0x1  }
0x17: {  	s4 =	simm.s32 $0x1BF5;
	[smem:$0x3FAD] =	sst s0  }
0x18: {  	s0 =	sld [smem:$0x3F90];
	_ =	swait.ge [sflag:s4], $0x0  }
0x19: {  	s7 =	sld [smem:$0x3F91]  }
0x1a: {  	s8 =	sadd.s32 $0xFFFFE003, lr  }
0x1b: {  	s9 =	sadd.s32 $0xFFFFFEF7, lr;
	s5 =	simm.s32 $0xFFFFFFFF;
	p2 =	slt.u32 s8, $0xFFFFF086  }
0x1c: {  	p1 =	slt.u32 s9, $0xF7A;
	s5 =	simm.s32 @!p2 $0x0  }
0x1d: {  	s5 =	simm.s32 @p1 $0x1;
	p0 =	seq.s32 s7, s2  }
0x1e: {  	s7 =	smul.u32 @!p0 $0xF7A, s2;
	p2 =	seq.s32 @!p0 s5, $0x0  }
0x1f: {  	s9 =	smul.u32 $0xF7A, s1;
	s8 =	simm.s32 @!p0 $0x1BF5;
	p2 =	por !p2, p0  }
0x20: {  	[sflag:s8] =	ssyncset.s32 @!p0 $0xFFFFF086;
	s6 =	sadd.s32 @!p0 s3, s7;
	s7 =	simm.s32 @!p0 $0x108  }
0x21: {  	s3 =	sadd.s32 s3, s9;
	s6 =	sadd.s32 @!p0 $0x88, s6;
	s7 =	simm.s32 @p2 $0x1082  }
0x22: {  	[simem:s7], [sflag:s8] =	dma.local @!p0 [hbm:s6], $0xF7A  }
0x23: {  	s9 =	sor.u32 $0xD0000000, s2;
	s6 =	simm.s32 $0x108;
	_ =	swait.ge @!p0 [sflag:s8], $0x0  }
0x24: {  	s3 =	sadd.s32 $0x88, s3;
	s6 =	simm.s32 @!p1 $0x1082;
	[sflag:s4] =	ssyncset.s32 $0xFFFFF086  }
0x25: {  	[simem:s6], [sflag:s4] =	dma.local [hbm:s3], $0xF7A  }
0x26: {  	[smem:$0x3F91] =	sst s1;
	(tag) =	ssettag s2;
	_ =	strace s9  }
0x27: {  	s1 =	sld [smem:$0x3FA1]  }
0x28: {  	s2 =	sld [smem:$0x3FA2]  }
0x29: {  	s4 =	sld [smem:$0x3FA4]  }
0x2a: {  	p0 =	seq.s32 s5, $0x0;
	s5 =	sld [smem:$0x3FA5]  }
0x2b: {  	s6 =	sld [smem:$0x3FA6]  }
0x2c: {  	s7 =	sld [smem:$0x3FA7]  }
0x2d: {  	s3 =	simm.s32 $0x108;
	s8 =	sld [smem:$0x3FA8]  }
0x2e: {  	s3 =	simm.s32 @!p0 $0x1082;
	s9 =	sld [smem:$0x3FA9]  }
0x2f: {  	lr =	sadd.s32 s0, s3;
	s0 =	sld [smem:$0x3FA0]  }
0x30: {  	s3 =	sld [smem:$0x3FA3]  }
0x31: {  	[smem:$0x3FAC] =	sst s10  }
0x32: {  	s10 =	sld [smem:$0x3FAA];
	_ =	sdelay $0x3  }
0x33: {  	p0 =	seq.s32 s10, $0x1;
	s10 =	sld [smem:$0x3FAC];
	_ =	sdelay $0x3  }
0x34: {  	[smem:$0x3FAC] =	sst s10  }
0x35: {  	s10 =	sld [smem:$0x3FAB];
	_ =	sdelay $0x3  }
0x36: {  	p1 =	seq.s32 s10, $0x1;
	s10 =	sld [smem:$0x3FAC];
	_ =	sdelay $0x3  }
0x37: {  	[smem:$0x3FAC] =	sst s10  }
0x38: {  	s10 =	sld [smem:$0x3FAD]  }
0x39: {  	_ = 	snop;
	(pc) =	sbr.ind lr, $3  }
0x3a: {  	_ = 	snop  }
0x3b: {  	_ = 	snop  }
0x3c: {  	p2 =	seq.s32 s10, $0x1;
	s10 =	sld [smem:$0x3FAC]  }
0x3d: {  	_ =	shalt  }
0x3e: {  	_ =	shalt  }
0x3f: {  	_ =	shalt  }
0x40: {  	_ =	shalt  }
0x41: {  	_ =	shalt  }
0x42: {  	_ =	shalt  }
0x43: {  	_ =	shalt  }
0x44: {  	_ =	shalt  }
0x45: {  	_ =	shalt  }
0x46: {  	_ =	shalt  }
0x47: {  	_ =	shalt  }
0x48: {  	_ =	shalt  }
0x49: {  	_ =	shalt  }
0x4a: {  	_ =	shalt  }
0x4b: {  	_ =	shalt  }
0x4c: {  	_ =	shalt  }
0x4d: {  	_ =	shalt  }
0x4e: {  	_ =	shalt  }
0x4f: {  	_ =	shalt  }
0x50: {  	_ =	shalt  }
0x51: {  	_ =	shalt  }
0x52: {  	_ =	shalt  }
0x53: {  	_ =	shalt  }
0x54: {  	_ =	shalt  }
0x55: {  	_ =	shalt  }
0x56: {  	_ =	shalt  }
0x57: {  	_ =	shalt  }
0x58: {  	_ =	shalt  }
0x59: {  	_ =	shalt  }
0x5a: {  	_ =	shalt  }
0x5b: {  	_ =	shalt  }
0x5c: {  	_ =	shalt  }
0x5d: {  	_ =	shalt  }
0x5e: {  	_ =	shalt  }
0x5f: {  	_ =	shalt  }
0x60: {  	_ =	shalt  }
0x61: {  	_ =	shalt  }
0x62: {  	_ =	shalt  }
0x63: {  	_ =	shalt  }
0x64: {  	_ =	shalt  }
0x65: {  	_ =	shalt  }
0x66: {  	_ =	shalt  }
0x67: {  	_ =	shalt  }
0x68: {  	_ =	shalt  }
0x69: {  	_ =	shalt  }
0x6a: {  	_ =	shalt  }
0x6b: {  	_ =	shalt  }
0x6c: {  	_ =	shalt  }
0x6d: {  	_ =	shalt  }
0x6e: {  	_ =	shalt  }
0x6f: {  	_ =	shalt  }
0x70: {  	_ =	shalt  }
0x71: {  	_ =	shalt  }
0x72: {  	_ =	shalt  }
0x73: {  	_ =	shalt  }
0x74: {  	_ =	shalt  }
0x75: {  	_ =	shalt  }
0x76: {  	_ =	shalt  }
0x77: {  	_ =	shalt  }
0x78: {  	_ =	shalt  }
0x79: {  	_ =	shalt  }
0x7a: {  	_ =	shalt  }
0x7b: {  	_ =	shalt  }
0x7c: {  	_ =	shalt  }
0x7d: {  	_ =	shalt  }
0x7e: {  	_ =	shalt  }
0x7f: {  	_ =	shalt  }
0x80: {  	_ =	shalt  }
0x81: {  	_ =	shalt  }
0x82: {  	_ =	shalt  }
0x83: {  	_ =	shalt  }
0x84: {  	_ =	shalt  }
0x85: {  	_ =	shalt  }
0x86: {  	_ =	shalt  }
0x87: {  	_ =	shalt  }
.Lfunc_end0:
.L_simem_size_0:
called_computation_lowered:
.L_overlay_start_0:
0x88: {  	s2 =	sld [smem:$0x3FD9]  }
0x89: {  	s3 =	sld [smem:$0x3FFE];
	_ =	sdelay $0x1  }
0x8a: {  	s1 =	srdreg.scid  }
0x8b: {  	s0 =	sand.u32 $0x1, s1  }
0x8c: {  	s16 =	sshll.u32 s0, $0xA;
	s2 =	sadd.s32 s3, s2  }
0x8d: {  	s2 =	sadd.s32 s2, s16  }
0x8e: {  	[smem:$0x3FB8] =	sst s2  }
0x8f: {  	_ = 	snop  }
0x90: {  	(tm) =	ssettm $0x1  }
0x91: {  	s17 =	sld [smem:$0x3FFB];
	_ =	sdelay $0x3  }
0x92: {  	_ =	strace s17  }
0x93: {  	s2 =	sld [smem:$0x3FFC];
	_ =	sdelay $0x3  }
0x94: {  	_ =	strace s2  }
0x95: {  	s2 =	sld [smem:$0x3FFD];
	_ =	sdelay $0x3  }
0x96: {  	_ =	strace s2  }
0x97: {  	_ =	strace $0x8FFFFFFF  }
0x98: {  	s18 =	sld [smem:$0x3FDB];
	_ =	sdelay $0x1  }
0x99: {  	s19 =	simm.s32 $_scs_section_size  }
0x9a: {  	s4 =	simm.s32 $_size__tile_overlayer_lowered;
	s5 =	simm.s32 $_tile_overlayer_lowered  }
0x9b: {  	s22 =	simm.s32 $0x1BFF;
	s21 =	sshll.u32 s5, $0x1;
	s2 =	sadd.s32 s19, s18  }
0x9c: {  	s6 =	simm.s32 $0x0;
	s20 =	sshll.u32 s4, $0x1;
	s4 =	sadd.s32 s21, s2  }
0x9d: {  	[timem:s6], [sflag:s22] =	dma.local [hbm:s4], s20  }
0x9e: {  	_ =	swait.ge [sflag:s22], s20  }
0x9f: {  	s3 =	ssub.s32 $0x0, s20;
	[sflag:s22] =	ssyncset.done $0x0  }
0xa0: {  	[sflag:s22] =	ssyncadd.s32 s3;
	_ =	sdelay $0x1  }
0xa1: {  	s23 =	simm.s32 $0x1B8B  }
0xa2: {  	_ =	swait.ge [sflag:s23], $0x1  }
0xa3: {  	[sflag:s23] =	ssyncset.done $0x0  }
0xa4: {  	s25 =	simm.s32 $0x1B8E;
	s24 =	sld [smem:$0x3FFE];
	[sflag:s23] =	ssyncadd.s32 $0xFFFFFFFF  }
0xa5: {  	s26 =	simm.s32 $execute0_lowered;
	[smem:$0x3FD2] =	sst s25  }
0xa6: {  	s4 =	sshll.u32 s26, $0x1;
	_ =	strace $0x80000046;
	[dreg:$0x1] =	wrdreg $0xFFFFFFFF  }
0xa7: {  	s28 =	simm.s32 $_size_execute0_lowered;
	s2 =	sadd.s32 s2, s4;
	[dreg:$0x0] =	wrdreg $0x0  }
0xa8: {  	s4 =	sshll.u32 s28, $0x1;
	[dreg:$0x2] =	wrdreg s2  }
0xa9: {  	[dreg:$0x3] =	wrdreg s4  }
0xaa: {  	[dreg:$0x4] =	wrdreg $0xC0  }
0xab: {  	_ =	task [dreg:s6], $0x5FFFF  }
0xac: {  	[dreg:$0x1] =	wrdreg $0xFFFFFFFF  }
0xad: {  	[dreg:$0x0] =	wrdreg $0x60  }
0xae: {  	[dreg:$0x2] =	wrdreg s24  }
0xaf: {  	[dreg:$0x3] =	wrdreg $0x1A0A00  }
0xb0: {  	[dreg:$0x4] =	wrdreg $0xD8A00  }
0xb1: {  	[dreg:$0x5] =	wrdreg $0x9  }
0xb2: {  	_ =	task.clear_ibuf [dreg:s6], $0x6FFFF;
	_ =	strace $0x90000046  }
0xb3: {  	s29 =	simm.s32 $0x9;
	_ =	strace $0x80000048  }
0xb4: {  	_ =	swait.ge [sflag:s29], $0x1  }
0xb5: {  	[sflag:s29] =	ssyncadd.s32 $0xFFFFFFFF  }
0xb6: {  	_ =	strace $0x90000048  }
0xb7: {  	_ =	sfence  }
0xb8: {  	s30 =	sld [smem:$0x0];
	_ =	sdelay $0x2  }
0xb9: {  	s31 =	sshll.u32 s1, $0xD;
	s1 =	sshrl.u32 s1, $0x2  }
0xba: {  	s3 =	sand.u32 $0x4000, s31;
	s1 =	sadd.s32 s1, s30  }
0xbb: {  	s0 =	sor.u32 s3, s0;
	s1 =	sshll.u32 s1, $0x11  }
0xbc: {  	s0 =	sor.u32 s1, s0  }
0xbd: {  	s0 =	sadd.s32 $0x8F2B, s0  }
0xbe: {  	[sflag:s0] =	ssyncadd.remote.s32 $0x1  }
0xbf: {  	_ =	sfence.sel $0xFFFF  }
0xc0: {  	[dreg:$0x0] =	wrdreg $0xFFFFFFFF;
	(pc) =	sbr.abs _section_cstart, $3  }
0xc1: {  	[dreg:$0x1] =	wrdreg $0xFFFFFFFF  }
0xc2: {  	_ =	task.clear_ibuf [dreg:s6], $0x2FFFF;
	_ =	strace $0x9FFFFFFF  }
0xc3: {  	(tm) =	ssettm $0x7FFFFFFF  }
tec
execute0_lowered:
.L_overlay_start_1:
0x0: {  	(tag) =	ssettag $0x1  }
0x1: {  	s2 =	rddreg [dreg:$0x0];
	s1 =	simm.s32 $0x0  }
0x2: {  	s0 =	srdreg.scid;
	s16 =	stileid.u32;
	s28 =	simm.s32 $0x1  }
0x3: {  	s29 =	simm.s32 $0x3;
	s30 =	simm.s32 $0x5;
	s31 =	simm.s32 $0x2  }
0x4: {  	s3 =	sadd.s32 $0x1000, s2;
	s4 =	sand.u32 $0x1, s0;
	s6 =	smul.u32 $0x280, s16  }
0x5: {  	s7 =	sadd.s32 $0x3B000, s2;
	s9 =	smul.u32 $0x5000, s16;
	s0 =	ssub.s32 $0x2, s4  }
0x6: {  	[smem:$0x7FF] =	sst s1;
	s5 =	sshll.u32 s4, $0x4;
	s8 =	sshrl.u32 s0, $0x1  }
0x7: {  	s10 =	sadd.s32 $0x100, s6;
	s11 =	sshrl.u32 s9, $0x3;
	s22 =	sadd.s32 $0x180, s6  }
0x8: {  	s0 =	ssub.s32 s0, s8;
	s8 =	sadd.s32 $0x80, s6;
	s13 =	sshll.u32 s10, $0x2  }
0x9: {  	s11 =	sadd.s32 s7, s11;
	s6 =	sadd.s32 $0x200, s6;
	s23 =	sshll.u32 s22, $0x2  }
0xa: {  	s12 =	sshll.u32 s8, $0x2;
	[dreg:$0x4] =	wrdreg s11;
	s21 =	sadd.s32 s7, s13  }
0xb: {  	s14 =	sshll.u32 s6, $0x2;
	s13 =	sadd.s32 s7, s23;
	[dreg:$0x6] =	wrdreg s21  }
0xc: {  	s15 =	smul.u32 $0x50, s8;
	s20 =	sadd.s32 s7, s12;
	[dreg:$0x7] =	wrdreg s13  }
0xd: {  	s12 =	smul.u32 $0xC800, s16;
	s7 =	sadd.s32 s7, s14;
	[dreg:$0x5] =	wrdreg s20  }
0xe: {  	s4 =	smul.u32 $0x50000, s4;
	s6 =	sshll.u32 s6, $0x5;
	[dreg:$0x8] =	wrdreg s7  }
0xf: {  	s25 =	sshrl.u32 s15, $0x3;
	s24 =	sshrl.u32 s12, $0x3;
	s13 =	sadd.s32 $0x5000, s12  }
0x10: {  	s14 =	sadd.s32 $0x7800, s12;
	s18 =	sadd.s32 $0xA000, s12;
	s7 =	sadd.s32 s3, s24  }
0x11: {  	s26 =	sshrl.u32 s13, $0x3;
	[dreg:$0x9] =	wrdreg s7;
	s7 =	sadd.s32 s3, s25  }
0x12: {  	s17 =	sshrl.u32 s14, $0x3;
	[dreg:$0xa] =	wrdreg s7;
	s7 =	sadd.s32 s3, s26  }
0x13: {  	s19 =	sshrl.u32 s18, $0x3;
	[dreg:$0xb] =	wrdreg s7;
	s7 =	sadd.s32 s3, s17  }
0x14: {  	s0 =	smax.u32 s0, $0x1;
	s3 =	sadd.s32 s3, s19;
	[dreg:$0xc] =	wrdreg s7  }
0x15: {  	s21 =	sadd.s32 $0x45000, s2;
	s20 =	sadd.s32 s9, s4;
	[dreg:$0xd] =	wrdreg s3  }
0x16: {  	s3 =	sor.u32 s16, s5;
	s5 =	sshll.u32 s8, $0x5;
	s7 =	sshll.u32 s10, $0x5  }
0x17: {  	s10 =	sshll.u32 s22, $0x5;
	s8 =	sshrl.u32 s20, $0x3;
	s16 =	rddreg [dreg:$0x1]  }
0x18: {  	s20 =	sadd.s32 $0x25000, s2;
	s22 =	sadd.s32 s4, s5;
	s17 =	sadd.s32 s4, s7  }
0x19: {  	s8 =	sadd.s32 s21, s8;
	s26 =	sadd.s32 s4, s10;
	s4 =	sadd.s32 s4, s6  }
0x1a: {  	s19 =	smul.u32 $0x2C0, s3;
	s5 =	sadd.s32 s5, s16;
	s6 =	sadd.s32 s6, s16  }
0x1b: {  	[dreg:$0xe] =	wrdreg s8;
	s23 =	sshrl.u32 s22, $0x3;
	s24 =	sshrl.u32 s17, $0x3  }
0x1c: {  	s4 =	sshrl.u32 s4, $0x3;
	s17 =	rddreg [dreg:$0x2];
	s8 =	sadd.s32 s21, s23  }
0x1d: {  	s22 =	sadd.s32 s7, s16;
	s25 =	sadd.s32 s21, s24;
	[dreg:$0xf] =	wrdreg s8  }
0x1e: {  	s4 =	sadd.s32 s21, s4;
	[dreg:$0x10] =	wrdreg s25;
	s8 =	sshrl.u32 s26, $0x3  }
0x1f: {  	s7 =	simm.s32 $0x7;
	[dreg:$0x12] =	wrdreg s4;
	s8 =	sadd.s32 s21, s8  }
0x20: {  	s23 =	sadd.s32 s10, s16;
	s11 =	sadd.s32 s12, s17;
	[dreg:$0x11] =	wrdreg s8  }
0x21: {  	s12 =	sadd.s32 s15, s17;
	_ =	strace $0x80000047;
	[dreg:$0x16] =	wrdreg s11  }
0x22: {  	s13 =	sadd.s32 s13, s17;
	s14 =	sadd.s32 s14, s17;
	[dreg:$0x17] =	wrdreg s12  }
0x23: {  	s15 =	sadd.s32 s18, s17;
	s10 =	simm.s32 $0x3020;
	[dreg:$0x18] =	wrdreg s13  }
0x24: {  	s26 =	smul.u32 $0x5800, s3;
	s4 =	smov.u32 s6;
	[dreg:$0x19] =	wrdreg s14  }
0x25: {  	s6 =	simm.s32 $0xC8A0;
	s21 =	sadd.s32 s9, s16;
	[dreg:$0x1a] =	wrdreg s15  }
0x26: {  	s9 =	simm.s32 $0x80;
	s8 =	sadd.s32 s19, s2;
	[dreg:$0x1e] =	wrdreg s0  }
0x27: {  	s18 =	sshrl.u32 s26, $0x3;
	s19 =	sadd.s32 $0x1F800, s8;
	[dreg:$0x13] =	wrdreg s22  }
0x28: {  	s24 =	sadd.s32 $0x1A000, s8;
	s2 =	sadd.s32 s20, s18;
	[dreg:$0x14] =	wrdreg s23  }
0x29: {  	s8 =	simm.s32 $0xA0A0;
	s11 =	simm.s32 $0x2C00;
	[dreg:$0x15] =	wrdreg s4  }
0x2a: {  	s12 =	simm.s32 $0x5820;
	s13 =	simm.s32 $0x2E10;
	[dreg:$0x1b] =	wrdreg s19  }
0x2b: {  	s18 =	simm.s32 $0x8020;
	s15 =	simm.s32 $0x4;
	[dreg:$0x1c] =	wrdreg s24  }
0x2c: {  	v0 =	vimm.f32 $0.0e+00;
	vm0 =	vcmask $0x300;
	s0 =	simm.s32 $0x6;
	[dreg:$0x1d] =	wrdreg s2;
	s25 =	sadd.s32 $0x40, s2  }
0x2d: {  	v2 =	vimm.s32 $0x2710;
	v1 =	vsel vm0, $0x3F800000, v0;
	s19 =	simm.s32 $0x9020;
	s2 =	simm.s32 $0x0;
	[dreg:$0x1f] =	wrdreg s25  }
.LBB2_1:
0x2e: {  	s3 =	rddreg [dreg:$0x4]  }
0x2f: {  	[tilespmem:s6], [sflag:$0x7] =	stream.linear.gather [hbm4b:s3+s1], $0x1000, $0x38;
	[tilespmem:$0x1F0A0] =	vst v63  }
0x30: {  	_ =	swait.ge [sflag:s7], $0x1000  }
0x31: {  	[sflag:s7] =	ssyncset.done $0x0  }
0x32: {  	[sflag:s7] =	ssyncadd.s32 $0xFFFFF000  }
0x33: {  	[spmem:s21] =	stream.linear.scatter [tilespmem:s6], [sflag:$0x7], $0x1000, $0x38;
	[tilespmem:$0x1F0A0] =	vst v63  }
0x34: {  	_ =	swait.ge [sflag:s7], $0x1000  }
0x35: {  	[sflag:s7] =	ssyncset.done $0x0  }
0x36: {  	s25 =	rddreg [dreg:$0x5];
	[sflag:s7] =	ssyncadd.s32 $0xFFFFF000  }
0x37: {  	[tilespmem:s6], [sflag:$0x7] =	stream.linear.gather [hbm4b:s25+s1], $0x1000, $0x38;
	[tilespmem:$0x1F0A0] =	vst v63  }
0x38: {  	_ =	swait.ge [sflag:s7], $0x1000  }
0x39: {  	[sflag:s7] =	ssyncset.done $0x0  }
0x3a: {  	[sflag:s7] =	ssyncadd.s32 $0xFFFFF000  }
0x3b: {  	[spmem:s5] =	stream.linear.scatter [tilespmem:s6], [sflag:$0x7], $0x1000, $0x38;
	[tilespmem:$0x1F0A0] =	vst v63  }
0x3c: {  	_ =	swait.ge [sflag:s7], $0x1000  }
0x3d: {  	[sflag:s7] =	ssyncset.done $0x0  }
0x3e: {  	s14 =	rddreg [dreg:$0x6];
	[sflag:s7] =	ssyncadd.s32 $0xFFFFF000  }
0x3f: {  	[tilespmem:s6], [sflag:$0x7] =	stream.linear.gather [hbm4b:s14+s1], $0x1000, $0x38;
	[tilespmem:$0x1F0A0] =	vst v63  }
0x40: {  	_ =	swait.ge [sflag:s7], $0x1000  }
0x41: {  	[sflag:s7] =	ssyncset.done $0x0  }
0x42: {  	[sflag:s7] =	ssyncadd.s32 $0xFFFFF000  }
0x43: {  	[spmem:s22] =	stream.linear.scatter [tilespmem:s6], [sflag:$0x7], $0x1000, $0x38;
	[tilespmem:$0x1F0A0] =	vst v63  }
0x44: {  	_ =	swait.ge [sflag:s7], $0x1000  }
0x45: {  	[sflag:s7] =	ssyncset.done $0x0  }
0x46: {  	s24 =	smov.u32 s21;
	s21 =	rddreg [dreg:$0x7];
	[sflag:s7] =	ssyncadd.s32 $0xFFFFF000  }
0x47: {  	[tilespmem:s6], [sflag:$0x7] =	stream.linear.gather [hbm4b:s21+s1], $0x1000, $0x38;
	[tilespmem:$0x1F0A0] =	vst v63  }
0x48: {  	_ =	swait.ge [sflag:s7], $0x1000  }
0x49: {  	[sflag:s7] =	ssyncset.done $0x0  }
0x4a: {  	[sflag:s7] =	ssyncadd.s32 $0xFFFFF000  }
0x4b: {  	[spmem:s23] =	stream.linear.scatter [tilespmem:s6], [sflag:$0x7], $0x1000, $0x38;
	[tilespmem:$0x1F0A0] =	vst v63  }
0x4c: {  	_ =	swait.ge [sflag:s7], $0x1000  }
0x4d: {  	[sflag:s7] =	ssyncset.done $0x0  }
0x4e: {  	s22 =	rddreg [dreg:$0x8];
	[sflag:s7] =	ssyncadd.s32 $0xFFFFF000  }
0x4f: {  	[tilespmem:s6], [sflag:$0x7] =	stream.linear.gather [hbm4b:s22+s1], $0x1000, $0x38;
	[tilespmem:$0x1F0A0] =	vst v63  }
0x50: {  	_ =	swait.ge [sflag:s7], $0x1000  }
0x51: {  	[sflag:s7] =	ssyncset.done $0x0  }
0x52: {  	[sflag:s7] =	ssyncadd.s32 $0xFFFFF000  }
0x53: {  	[spmem:s4] =	stream.linear.scatter [tilespmem:s6], [sflag:$0x7], $0x1000, $0x38;
	[tilespmem:$0x1F0A0] =	vst v63  }
0x54: {  	_ =	swait.ge [sflag:s7], $0x1000  }
0x55: {  	[sflag:s7] =	ssyncset.done $0x0  }
0x56: {  	s23 =	rddreg [dreg:$0x9];
	[sflag:s7] =	ssyncadd.s32 $0xFFFFF000  }
0x57: {  	[tilespmem:s8], [sflag:$0x7] =	stream.linear.gather [hbm4b:s23+s1], $0x2800, $0x38;
	[tilespmem:$0x1F0A0] =	vst v63  }
0x58: {  	_ =	swait.ge [sflag:s7], $0x2800  }
0x59: {  	[sflag:s7] =	ssyncset.done $0x0  }
0x5a: {  	s4 =	rddreg [dreg:$0x16];
	[sflag:s7] =	ssyncadd.s32 $0xFFFFD800  }
0x5b: {  	[spmem:s4] =	stream.linear.scatter [tilespmem:s8], [sflag:$0x7], $0x2800, $0x38;
	[tilespmem:$0x1F0A0] =	vst v63  }
0x5c: {  	_ =	swait.ge [sflag:s7], $0x2800  }
0x5d: {  	[sflag:s7] =	ssyncset.done $0x0  }
0x5e: {  	s25 =	smov.u32 s5;
	s5 =	rddreg [dreg:$0xa];
	[sflag:s7] =	ssyncadd.s32 $0xFFFFD800  }
0x5f: {  	[tilespmem:s8], [sflag:$0x7] =	stream.linear.gather [hbm4b:s5+s1], $0x2800, $0x38;
	[tilespmem:$0x1F0A0] =	vst v63  }
0x60: {  	_ =	swait.ge [sflag:s7], $0x2800  }
0x61: {  	[sflag:s7] =	ssyncset.done $0x0  }
0x62: {  	s14 =	rddreg [dreg:$0x17];
	[sflag:s7] =	ssyncadd.s32 $0xFFFFD800  }
0x63: {  	[spmem:s14] =	stream.linear.scatter [tilespmem:s8], [sflag:$0x7], $0x2800, $0x38;
	[tilespmem:$0x1F0A0] =	vst v63  }
0x64: {  	_ =	swait.ge [sflag:s7], $0x2800  }
0x65: {  	[sflag:s7] =	ssyncset.done $0x0  }
0x66: {  	s21 =	rddreg [dreg:$0xb];
	[sflag:s7] =	ssyncadd.s32 $0xFFFFD800  }
0x67: {  	[tilespmem:s8], [sflag:$0x7] =	stream.linear.gather [hbm4b:s21+s1], $0x2800, $0x38;
	[tilespmem:$0x1F0A0] =	vst v63  }
0x68: {  	_ =	swait.ge [sflag:s7], $0x2800  }
0x69: {  	[sflag:s7] =	ssyncset.done $0x0  }
0x6a: {  	s22 =	rddreg [dreg:$0x18];
	[sflag:s7] =	ssyncadd.s32 $0xFFFFD800  }
0x6b: {  	[spmem:s22] =	stream.linear.scatter [tilespmem:s8], [sflag:$0x7], $0x2800, $0x38;
	[tilespmem:$0x1F0A0] =	vst v63  }
0x6c: {  	_ =	swait.ge [sflag:s7], $0x2800  }
0x6d: {  	[sflag:s7] =	ssyncset.done $0x0  }
0x6e: {  	s23 =	rddreg [dreg:$0xc];
	[sflag:s7] =	ssyncadd.s32 $0xFFFFD800  }
0x6f: {  	[tilespmem:s8], [sflag:$0x7] =	stream.linear.gather [hbm4b:s23+s1], $0x2800, $0x38;
	[tilespmem:$0x1F0A0] =	vst v63  }
0x70: {  	_ =	swait.ge [sflag:s7], $0x2800  }
0x71: {  	[sflag:s7] =	ssyncset.done $0x0  }
0x72: {  	s4 =	rddreg [dreg:$0x19];
	[sflag:s7] =	ssyncadd.s32 $0xFFFFD800  }
0x73: {  	[spmem:s4] =	stream.linear.scatter [tilespmem:s8], [sflag:$0x7], $0x2800, $0x38;
	[tilespmem:$0x1F0A0] =	vst v63  }
0x74: {  	_ =	swait.ge [sflag:s7], $0x2800  }
0x75: {  	[sflag:s7] =	ssyncset.done $0x0  }
0x76: {  	s5 =	rddreg [dreg:$0xd];
	[sflag:s7] =	ssyncadd.s32 $0xFFFFD800  }
0x77: {  	[tilespmem:s8], [sflag:$0x7] =	stream.linear.gather [hbm4b:s5+s1], $0x2800, $0x38;
	[tilespmem:$0x1F0A0] =	vst v63  }
0x78: {  	_ =	swait.ge [sflag:s7], $0x2800  }
0x79: {  	[sflag:s7] =	ssyncset.done $0x0  }
0x7a: {  	s14 =	rddreg [dreg:$0x1a];
	[sflag:s7] =	ssyncadd.s32 $0xFFFFD800  }
0x7b: {  	[spmem:s14] =	stream.linear.scatter [tilespmem:s8], [sflag:$0x7], $0x2800, $0x38;
	[tilespmem:$0x1F0A0] =	vst v63  }
0x7c: {  	_ =	swait.ge [sflag:s7], $0x2800  }
0x7d: {  	[sflag:s7] =	ssyncset.done $0x0  }
0x7e: {  	s21 =	rddreg [dreg:$0x1b];
	[sflag:s7] =	ssyncadd.s32 $0xFFFFD800  }
0x7f: {  	[tilespmem:s1], [sflag:$0x7] =	stream.linear.gather [hbm4b:s21+s1], $0x1600, $0x38;
	[tilespmem:$0x1F0A0] =	vst v63  }
0x80: {  	_ =	swait.ge [sflag:s7], $0x1600  }
0x81: {  	[sflag:s7] =	ssyncset.done $0x0  }
0x82: {  	s23 =	simm.s32 $0x1600;
	s22 =	rddreg [dreg:$0x1c];
	[sflag:s7] =	ssyncadd.s32 $0xFFFFEA00  }
0x83: {  	[tilespmem:s23], [sflag:$0x7] =	stream.linear.gather [hbm4b:s22+s1], $0x1600, $0x38;
	[tilespmem:$0x1F0A0] =	vst v63  }
0x84: {  	_ =	swait.ge [sflag:s7], $0x1600  }
0x85: {  	[sflag:s7] =	ssyncset.done $0x0  }
0x86: {  	s3 =	simm.s32 $0x0;
	s4 =	simm.s32 $0x80;
	[sflag:s7] =	ssyncadd.s32 $0xFFFFEA00  }
.LBB2_2:
0x87: {  	p0 =	sne.s32 s4, $0x3F80;
	[tilespmem:s3+$0x9030] =	vst v1;
	s5 =	smov.u32 s4;
	s4 =	sadd.s32 $0x80, s4  }
.Ltmp0:
0x88: {  	[tilespmem:s3+$0x9020] =	vst v0;
	(pc) =	sbr.rel @p0 .LBB2_2-.Ltmp0, $3  }
0x89: {  	[tilespmem:s3+$0x8020] =	vst v0  }
0x8a: {  	[tilespmem:s3+$0x8030] =	vst v1;
	_ =	sdelay $0x1  }
0x8b: {  	s3 =	sshra.s32 s5, $0x2  }
0x8c: {  	[tilespmem:s3+$0x9030] =	vst v1  }
0x8d: {  	[tilespmem:s3+$0x9020] =	vst v0  }
0x8e: {  	[tilespmem:s3+$0x8020] =	vst v0  }
0x8f: {  	[tilespmem:s3+$0x8030] =	vst v1  }
0x90: {  	[tilespmem:$0xA020] =	vst v2  }
0x91: {  	[tilespmem:$0xA030] =	vst v2  }
0x92: {  	[tilespmem:$0xA040] =	vst v2  }
0x93: {  	[tilespmem:$0xA050] =	vst v2  }
0x94: {  	[tilespmem:$0xA060] =	vst v2  }
0x95: {  	[tilespmem:$0xA070] =	vst v2  }
0x96: {  	[tilespmem:$0xA080] =	vst v2  }
0x97: {  	[tilespmem:$0xA090] =	vst v2  }
0x98: {  	s4 =	simm.s32 $0x0;
	[bflag:$0x0] =	sbarrier.arrive $0xFFFF  }
0x99: {  	[tilespmem:s10], [sflag:$0x1] =	stream.indirect.gather [spmem:s17], $0x50, s4, s9, $0xb8;
	[tilespmem:$0x1F0A0] =	vst v63  }
0x9a: {  	s21 =	rddreg [dreg:$0x1d]  }
0x9b: {  	[tilespmem:s11], [sflag:$0x3] =	stream.linear.gather [hbm4b:s21+s4], $0x200, $0x38;
	[tilespmem:$0x1F0A0] =	vst v63  }
0x9c: {  	_ = 	snop  }
0x9d: {  	[tilespmem:s12], [sflag:$0x2] =	stream.indirect.gather [spmem:s17], $0x50, s9, s9, $0xb8;
	[tilespmem:$0x1F0A0] =	vst v63  }
0x9e: {  	s22 =	rddreg [dreg:$0x1f]  }
0x9f: {  	[tilespmem:s13], [sflag:$0x4] =	stream.linear.gather [hbm4b:s22+s4], $0x200, $0x38;
	[tilespmem:$0x1F0A0] =	vst v63  }
0xa0: {  	s23 =	simm.s32 $0xA020  }
0xa1: {  	[spmem:s16] =	stream.indirect.scatter.add.f32 [tilespmem:s18], [sflag:$0x5], $0x20, s23, s9, $0xb8;
	[tilespmem:$0x1F0A0] =	vst v63  }
0xa2: {  	_ = 	snop  }
0xa3: {  	[spmem:s16] =	stream.indirect.scatter.add.f32 [tilespmem:s19], [sflag:$0x6], $0x20, s23, s9, $0xb8;
	[tilespmem:$0x1F0A0] =	vst v63  }
.LBB2_4:
0xa4: {  	_ =	swait.ge [sflag:s28], $0x2800  }
0xa5: {  	[sflag:s28] =	ssyncset.done $0x0  }
0xa6: {  	[sflag:s28] =	ssyncadd.s32 $0xFFFFD800  }
0xa7: {  	_ =	swait.ge [sflag:s29], $0x200  }
0xa8: {  	[sflag:s29] =	ssyncset.done $0x0  }
0xa9: {  	[sflag:s29] =	ssyncadd.s32 $0xFFFFFE00  }
0xaa: {  	_ =	swait.ge [sflag:s30], $0x1000  }
0xab: {  	[sflag:s30] =	ssyncset.done $0x0  }
0xac: {  	s3 =	simm.s32 $0x0;
	[sflag:s30] =	ssyncadd.s32 $0xFFFFF000  }
0xad: {  	v3 =	vld [tilespmem:s3+$0x2C00]  }
0xae: {  	s5 =	simm.s32 $0x3040  }
0xaf: {  	v4 =	vld [tilespmem:s5+$0xFFFFFFE0]  }
0xb0: {  	v5 =	vld [tilespmem:s5+$0x20]  }
0xb1: {  	v6 =	vld [tilespmem:s5+$0xFFFFFFF0]  }
0xb2: {  	v7 =	vbroadcast v3, $0x0  }
0xb3: {  	v8 =	vld [tilespmem:s5+$0x0]  }
0xb4: {  	v60 =	vbroadcast v3, $0x1;
	v4 =	vmul.f32 v4, v7  }
0xb5: {  	v9 =	vld [tilespmem:s5+$0x10]  }
0xb6: {  	v62 =	vbroadcast v3, $0x2;
	v61 =	vmul.f32 v6, v60;
	v4 =	vadd.f32 v4, v5;
	_ =	sdelay $0x1  }
0xb7: {  	v3 =	vbroadcast v3, $0x3;
	v63 =	vmul.f32 v8, v62;
	v4 =	vadd.f32 v61, v4;
	_ =	sdelay $0x1  }
0xb8: {  	v3 =	vmul.f32 v9, v3;
	v4 =	vadd.f32 v63, v4;
	_ =	sdelay $0x1  }
0xb9: {  	v3 =	vadd.f32 v3, v4  }
0xba: {  	s14 =	simm.s32 $0x8020  }
0xbb: {  	s21 =	simm.s32 $0x4;
	s3 =	simm.s32 $0x20;
	[tilespmem:s14+$0x0] =	vst v3  }
.LBB2_5:
0xbc: {  	p0 =	sne.s32 s3, $0x7F0;
	v3 =	vld [tilespmem:s21+$0x2C00]  }
0xbd: {  	s5 =	sadd.s32 $0x50, s5  }
0xbe: {  	v4 =	vld [tilespmem:s5+$0xFFFFFFE0]  }
0xbf: {  	v5 =	vld [tilespmem:s5+$0x20]  }
0xc0: {  	v6 =	vld [tilespmem:s5+$0xFFFFFFF0]  }
0xc1: {  	v7 =	vbroadcast v3, $0x0  }
0xc2: {  	v8 =	vld [tilespmem:s5+$0x0]  }
0xc3: {  	v4 =	vmul.f32 v4, v7;
	v7 =	vbroadcast v3, $0x1  }
0xc4: {  	v9 =	vld [tilespmem:s5+$0x10]  }
0xc5: {  	v4 =	vadd.f32 v4, v5;
	v5 =	vmul.f32 v6, v7;
	v6 =	vbroadcast v3, $0x2;
	_ =	sdelay $0x1  }
0xc6: {  	v3 =	vbroadcast v3, $0x3;
	v4 =	vadd.f32 v5, v4;
	v5 =	vmul.f32 v8, v6;
	_ =	sdelay $0x1  }
.Ltmp1:
0xc7: {  	v4 =	vadd.f32 v5, v4;
	v3 =	vmul.f32 v9, v3;
	(pc) =	sbr.rel @p0 .LBB2_5-.Ltmp1, $4  }
0xc8: {  	_ = 	snop  }
0xc9: {  	v3 =	vadd.f32 v3, v4  }
0xca: {  	s14 =	sadd.s32 $0x20, s14  }
0xcb: {  	s21 =	sshra.s32 s3, $0x2;
	s3 =	sadd.s32 $0x10, s3;
	[tilespmem:s14+$0x0] =	vst v3  }
0xcc: {  	v3 =	vld [tilespmem:s21+$0x2C00]  }
0xcd: {  	s3 =	sadd.s32 $0x50, s5  }
0xce: {  	v4 =	vld [tilespmem:s3+$0xFFFFFFE0]  }
0xcf: {  	v5 =	vld [tilespmem:s3+$0x20]  }
0xd0: {  	v6 =	vld [tilespmem:s3+$0xFFFFFFF0]  }
0xd1: {  	v7 =	vbroadcast v3, $0x0  }
0xd2: {  	v8 =	vld [tilespmem:s3+$0x0]  }
0xd3: {  	v50 =	vbroadcast v3, $0x1;
	v4 =	vmul.f32 v4, v7  }
0xd4: {  	v9 =	vld [tilespmem:s3+$0x10]  }
0xd5: {  	v52 =	vbroadcast v3, $0x2;
	v51 =	vmul.f32 v6, v50;
	v4 =	vadd.f32 v4, v5;
	_ =	sdelay $0x1  }
0xd6: {  	v3 =	vbroadcast v3, $0x3;
	v53 =	vmul.f32 v8, v52;
	v4 =	vadd.f32 v51, v4;
	_ =	sdelay $0x1  }
0xd7: {  	v3 =	vmul.f32 v9, v3;
	v4 =	vadd.f32 v53, v4;
	_ =	sdelay $0x1  }
0xd8: {  	s5 =	sshll.u32 s4, $0xA;
	v3 =	vadd.f32 v3, v4  }
0xd9: {  	s23 =	sadd.s32 $0x20, s14;
	s14 =	sshrl.u32 s5, $0x2;
	s22 =	sadd.s32 $0x400, s5  }
0xda: {  	s21 =	sadd.s32 $0x1600, s14;
	s3 =	sadd.s32 s26, s22;
	[tilespmem:s23+$0x0] =	vst v3  }
0xdb: {  	[spmem:s16] =	stream.indirect.scatter.add.f32 [tilespmem:s18], [sflag:$0x5], $0x20, s21, s9, $0xb8;
	[tilespmem:$0x1F0A0] =	vst v63  }
0xdc: {  	s3 =	sshrl.u32 s3, $0x3;
	s23 =	sshrl.u32 s22, $0x2  }
0xdd: {  	[tilespmem:s10], [sflag:$0x1] =	stream.indirect.gather [spmem:s17], $0x50, s23, s9, $0xb8;
	[tilespmem:$0x1F0A0] =	vst v63  }
0xde: {  	s3 =	sadd.s32 s20, s3;
	s22 =	simm.s32 $0x0  }
0xdf: {  	[tilespmem:s11], [sflag:$0x3] =	stream.linear.gather [hbm4b:s3+s22], $0x200, $0x38;
	[tilespmem:$0x1F0A0] =	vst v63  }
0xe0: {  	_ =	swait.ge [sflag:s31], $0x2800  }
0xe1: {  	[sflag:s31] =	ssyncset.done $0x0  }
0xe2: {  	[sflag:s31] =	ssyncadd.s32 $0xFFFFD800  }
0xe3: {  	_ =	swait.ge [sflag:s15], $0x200  }
0xe4: {  	[sflag:s15] =	ssyncset.done $0x0  }
0xe5: {  	[sflag:s15] =	ssyncadd.s32 $0xFFFFFE00  }
0xe6: {  	_ =	swait.ge [sflag:s0], $0x1000  }
0xe7: {  	[sflag:s0] =	ssyncset.done $0x0  }
0xe8: {  	s23 =	simm.s32 $0x0;
	[sflag:s0] =	ssyncadd.s32 $0xFFFFF000  }
0xe9: {  	v3 =	vld [tilespmem:s23+$0x2E10]  }
0xea: {  	s3 =	simm.s32 $0x5840  }
0xeb: {  	v54 =	vld [tilespmem:s3+$0xFFFFFFE0]  }
0xec: {  	v55 =	vld [tilespmem:s3+$0x20]  }
0xed: {  	v56 =	vld [tilespmem:s3+$0xFFFFFFF0]  }
0xee: {  	v57 =	vbroadcast v3, $0x0  }
0xef: {  	v58 =	vld [tilespmem:s3+$0x0]  }
0xf0: {  	v59 =	vbroadcast v3, $0x1;
	v4 =	vmul.f32 v54, v57  }
0xf1: {  	v60 =	vld [tilespmem:s3+$0x10]  }
0xf2: {  	v62 =	vbroadcast v3, $0x2;
	v61 =	vmul.f32 v56, v59;
	v4 =	vadd.f32 v4, v55;
	_ =	sdelay $0x1  }
0xf3: {  	v3 =	vbroadcast v3, $0x3;
	v63 =	vmul.f32 v58, v62;
	v4 =	vadd.f32 v61, v4;
	_ =	sdelay $0x1  }
0xf4: {  	v3 =	vmul.f32 v60, v3;
	v4 =	vadd.f32 v63, v4;
	_ =	sdelay $0x1  }
0xf5: {  	v3 =	vadd.f32 v3, v4  }
0xf6: {  	s21 =	simm.s32 $0x9020  }
0xf7: {  	s22 =	simm.s32 $0x20;
	s23 =	simm.s32 $0x4;
	[tilespmem:s21+$0x0] =	vst v3  }
.LBB2_7:
0xf8: {  	p0 =	sne.s32 s22, $0x7F0;
	v3 =	vld [tilespmem:s23+$0x2E10]  }
0xf9: {  	s3 =	sadd.s32 $0x50, s3  }
0xfa: {  	v4 =	vld [tilespmem:s3+$0xFFFFFFE0]  }
0xfb: {  	v5 =	vld [tilespmem:s3+$0x20]  }
0xfc: {  	v6 =	vld [tilespmem:s3+$0xFFFFFFF0]  }
0xfd: {  	v7 =	vbroadcast v3, $0x0  }
0xfe: {  	v8 =	vld [tilespmem:s3+$0x0]  }
0xff: {  	v4 =	vmul.f32 v4, v7;
	v7 =	vbroadcast v3, $0x1  }
0x100: {  	v9 =	vld [tilespmem:s3+$0x10]  }
0x101: {  	v4 =	vadd.f32 v4, v5;
	v5 =	vmul.f32 v6, v7;
	v6 =	vbroadcast v3, $0x2;
	_ =	sdelay $0x1  }
0x102: {  	v3 =	vbroadcast v3, $0x3;
	v4 =	vadd.f32 v5, v4;
	v5 =	vmul.f32 v8, v6;
	_ =	sdelay $0x1  }
.Ltmp2:
0x103: {  	v4 =	vadd.f32 v5, v4;
	v3 =	vmul.f32 v9, v3;
	(pc) =	sbr.rel @p0 .LBB2_7-.Ltmp2, $4  }
0x104: {  	_ = 	snop  }
0x105: {  	v3 =	vadd.f32 v3, v4  }
0x106: {  	s21 =	sadd.s32 $0x20, s21  }
0x107: {  	s23 =	sshra.s32 s22, $0x2;
	s22 =	sadd.s32 $0x10, s22;
	[tilespmem:s21+$0x0] =	vst v3  }
0x108: {  	v3 =	vld [tilespmem:s23+$0x2E10]  }
0x109: {  	s3 =	sadd.s32 $0x50, s3  }
0x10a: {  	v4 =	vld [tilespmem:s3+$0xFFFFFFE0]  }
0x10b: {  	v5 =	vld [tilespmem:s3+$0x20]  }
0x10c: {  	v6 =	vld [tilespmem:s3+$0xFFFFFFF0]  }
0x10d: {  	v7 =	vbroadcast v3, $0x0  }
0x10e: {  	v8 =	vld [tilespmem:s3+$0x0]  }
0x10f: {  	v60 =	vbroadcast v3, $0x1;
	v4 =	vmul.f32 v4, v7  }
0x110: {  	v9 =	vld [tilespmem:s3+$0x10]  }
0x111: {  	v62 =	vbroadcast v3, $0x2;
	v61 =	vmul.f32 v6, v60;
	v4 =	vadd.f32 v4, v5;
	_ =	sdelay $0x1  }
0x112: {  	v3 =	vbroadcast v3, $0x3;
	v63 =	vmul.f32 v8, v62;
	v4 =	vadd.f32 v61, v4;
	_ =	sdelay $0x1  }
0x113: {  	v3 =	vmul.f32 v9, v3;
	v4 =	vadd.f32 v63, v4;
	_ =	sdelay $0x1  }
0x114: {  	v3 =	vadd.f32 v3, v4  }
0x115: {  	s21 =	sadd.s32 $0x20, s21;
	s4 =	sadd.s32 $0x1, s4  }
0x116: {  	s22 =	sadd.s32 $0x1680, s14;
	s23 =	sadd.s32 $0x600, s5;
	p0 =	sne.s32 s4, $0x14;
	[tilespmem:s21+$0x0] =	vst v3  }
0x117: {  	[spmem:s16] =	stream.indirect.scatter.add.f32 [tilespmem:s19], [sflag:$0x6], $0x20, s22, s9, $0xb8;
	[tilespmem:$0x1F0A0] =	vst v63  }
.Ltmp3:
0x118: {  	s3 =	sadd.s32 s26, s23;
	(pc) =	sbr.rel @p0 .LBB2_4-.Ltmp3, $4  }
0x119: {  	s5 =	sshrl.u32 s23, $0x2;
	s3 =	sshrl.u32 s3, $0x3  }
0x11a: {  	[tilespmem:s12], [sflag:$0x2] =	stream.indirect.gather [spmem:s17], $0x50, s5, s9, $0xb8;
	[tilespmem:$0x1F0A0] =	vst v63  }
0x11b: {  	s3 =	sadd.s32 s20, s3  }
0x11c: {  	[tilespmem:s13], [sflag:$0x4] =	stream.linear.gather [hbm4b:s3+s1], $0x200, $0x38;
	[tilespmem:$0x1F0A0] =	vst v63  }
0x11d: {  	_ =	swait.ge [sflag:s28], $0x2800  }
0x11e: {  	[sflag:s28] =	ssyncset.done $0x0  }
0x11f: {  	[sflag:s28] =	ssyncadd.s32 $0xFFFFD800  }
0x120: {  	_ =	swait.ge [sflag:s29], $0x200  }
0x121: {  	[sflag:s29] =	ssyncset.done $0x0  }
0x122: {  	[sflag:s29] =	ssyncadd.s32 $0xFFFFFE00  }
0x123: {  	_ =	swait.ge [sflag:s30], $0x1000  }
0x124: {  	[sflag:s30] =	ssyncset.done $0x0  }
0x125: {  	[sflag:s30] =	ssyncadd.s32 $0xFFFFF000  }
0x126: {  	_ =	swait.ge [sflag:s31], $0x2800  }
0x127: {  	[sflag:s31] =	ssyncset.done $0x0  }
0x128: {  	[sflag:s31] =	ssyncadd.s32 $0xFFFFD800  }
0x129: {  	_ =	swait.ge [sflag:s15], $0x200  }
0x12a: {  	[sflag:s15] =	ssyncset.done $0x0  }
0x12b: {  	[sflag:s15] =	ssyncadd.s32 $0xFFFFFE00  }
0x12c: {  	_ =	swait.ge [sflag:s0], $0x1000  }
0x12d: {  	[sflag:s0] =	ssyncset.done $0x0  }
0x12e: {  	[sflag:s0] =	ssyncadd.s32 $0xFFFFF000  }
0x12f: {  	[bflag:$0x0] =	sbarrier.arrive $0xFFFF  }
0x130: {  	[tilespmem:s6], [sflag:$0x7] =	stream.linear.gather [spmem:s24], $0x1000, $0x38;
	[tilespmem:$0x1F0A0] =	vst v63  }
0x131: {  	_ =	swait.ge [sflag:s7], $0x1000  }
0x132: {  	[sflag:s7] =	ssyncset.done $0x0  }
0x133: {  	s3 =	rddreg [dreg:$0xe];
	[sflag:s7] =	ssyncadd.s32 $0xFFFFF000  }
0x134: {  	[hbm4b:s3+s1] =	stream.linear.scatter [tilespmem:s6], [sflag:$0x7], $0x1000, $0x38;
	[tilespmem:$0x1F0A0] =	vst v63  }
0x135: {  	_ =	swait.ge [sflag:s7], $0x1000  }
0x136: {  	[sflag:s7] =	ssyncset.done $0x0  }
0x137: {  	[sflag:s7] =	ssyncadd.s32 $0xFFFFF000  }
0x138: {  	[tilespmem:s6], [sflag:$0x7] =	stream.linear.gather [spmem:s25], $0x1000, $0x38;
	[tilespmem:$0x1F0A0] =	vst v63  }
0x139: {  	_ =	swait.ge [sflag:s7], $0x1000  }
0x13a: {  	[sflag:s7] =	ssyncset.done $0x0  }
0x13b: {  	s5 =	smov.u32 s25;
	s25 =	rddreg [dreg:$0xf];
	[sflag:s7] =	ssyncadd.s32 $0xFFFFF000  }
0x13c: {  	[hbm4b:s25+s1] =	stream.linear.scatter [tilespmem:s6], [sflag:$0x7], $0x1000, $0x38;
	[tilespmem:$0x1F0A0] =	vst v63  }
0x13d: {  	_ =	swait.ge [sflag:s7], $0x1000  }
0x13e: {  	[sflag:s7] =	ssyncset.done $0x0  }
0x13f: {  	s22 =	rddreg [dreg:$0x13];
	[sflag:s7] =	ssyncadd.s32 $0xFFFFF000  }
0x140: {  	[tilespmem:s6], [sflag:$0x7] =	stream.linear.gather [spmem:s22], $0x1000, $0x38;
	[tilespmem:$0x1F0A0] =	vst v63  }
0x141: {  	_ =	swait.ge [sflag:s7], $0x1000  }
0x142: {  	[sflag:s7] =	ssyncset.done $0x0  }
0x143: {  	s4 =	rddreg [dreg:$0x10];
	[sflag:s7] =	ssyncadd.s32 $0xFFFFF000  }
0x144: {  	[hbm4b:s4+s1] =	stream.linear.scatter [tilespmem:s6], [sflag:$0x7], $0x1000, $0x38;
	[tilespmem:$0x1F0A0] =	vst v63  }
0x145: {  	_ =	swait.ge [sflag:s7], $0x1000  }
0x146: {  	[sflag:s7] =	ssyncset.done $0x0  }
0x147: {  	s23 =	rddreg [dreg:$0x14];
	[sflag:s7] =	ssyncadd.s32 $0xFFFFF000  }
0x148: {  	[tilespmem:s6], [sflag:$0x7] =	stream.linear.gather [spmem:s23], $0x1000, $0x38;
	[tilespmem:$0x1F0A0] =	vst v63  }
0x149: {  	_ =	swait.ge [sflag:s7], $0x1000  }
0x14a: {  	[sflag:s7] =	ssyncset.done $0x0  }
0x14b: {  	s14 =	rddreg [dreg:$0x11];
	[sflag:s7] =	ssyncadd.s32 $0xFFFFF000  }
0x14c: {  	[hbm4b:s14+s1] =	stream.linear.scatter [tilespmem:s6], [sflag:$0x7], $0x1000, $0x38;
	[tilespmem:$0x1F0A0] =	vst v63  }
0x14d: {  	_ =	swait.ge [sflag:s7], $0x1000  }
0x14e: {  	[sflag:s7] =	ssyncset.done $0x0  }
0x14f: {  	s4 =	rddreg [dreg:$0x15];
	[sflag:s7] =	ssyncadd.s32 $0xFFFFF000  }
0x150: {  	[tilespmem:s6], [sflag:$0x7] =	stream.linear.gather [spmem:s4], $0x1000, $0x38;
	[tilespmem:$0x1F0A0] =	vst v63  }
0x151: {  	_ =	swait.ge [sflag:s7], $0x1000  }
0x152: {  	[sflag:s7] =	ssyncset.done $0x0  }
0x153: {  	s21 =	smov.u32 s24;
	s24 =	rddreg [dreg:$0x12];
	[sflag:s7] =	ssyncadd.s32 $0xFFFFF000  }
0x154: {  	[hbm4b:s24+s1] =	stream.linear.scatter [tilespmem:s6], [sflag:$0x7], $0x1000, $0x38;
	[tilespmem:$0x1F0A0] =	vst v63  }
0x155: {  	_ =	swait.ge [sflag:s7], $0x1000  }
0x156: {  	s2 =	sadd.s32 $0x1, s2;
	s25 =	rddreg [dreg:$0x1e]  }
0x157: {  	p0 =	sne.s32 s2, s25  }
.Ltmp4:
0x158: {  	_ = 	snop;
	(pc) =	sbr.rel @p0 .LBB2_1-.Ltmp4, $3  }
0x159: {  	_ =	sdelay $0x1  }
0x15a: {  	[sflag:s7] =	ssyncset.done $0x0  }
0x15b: {  	[sflag:s7] =	ssyncadd.s32 $0xFFFFF000  }
0x15c: {  	_ =	sfence.sel $0x180000  }
0x15d: {  	[bflag:$0x0] =	sbarrier.arrive $0xFFFF  }
0x15e: {  	_ =	strace $0x90000047  }
0x15f: {  	s0 =	stileid.u32;
	[bflag:$0x2] =	sbarrier.arrive $0xFFFF  }
0x160: {  	p0 =	sne.s32 s0, $0x0;
	s0 =	rddreg [dreg:$0x3]  }
0x161: {  	s0 =	sadd.s32 @!p0 $0x100000, s0  }
0x162: {  	[sflag:s0] =	ssyncadd.tile.s32 @!p0 $0x1;
	_ =	shalt  }
.Lfunc_end2:
_tile_overlayer_lowered:
.L_overlay_start_2:
0x163: {  	(tag) =	ssettag $0x2  }
0x164: {  	s0 =	rddreg [dreg:$0x0];
	s2 =	stileid.u32  }
0x165: {  	s1 =	rddreg [dreg:$0x1];
	p0 =	sne.s32 s2, $0x0  }
0x166: {  	s3 =	rddreg [dreg:$0x2];
	[bflag:$0x3] =	sbarrier.arrive $0xFFFF;
	s2 =	simm.s32 @!p0 $0x1C07  }
0x167: {  	[timem:s3], [sflag:s2] =	dma.local @!p0 [hbm:s0], s1  }
0x168: {  	s0 =	simm.s32 @!p0 $0x7  }
0x169: {  	_ =	swait.ge @!p0 [sflag:s0], s1  }
0x16a: {  	s1 =	ssub.s32 @!p0 $0x0, s1;
	[sflag:s0] =	ssyncset.done @!p0 $0x0  }
0x16b: {  	[sflag:s0] =	ssyncadd.s32 @!p0 s1  }
0x16c: {  	[bflag:$0x3] =	sbarrier.arrive $0xFFFF  }
0x16d: {  	_ =	shalt  }

</sc_bundles>
